<compile_context>
chip_gen: v7x
topology: tpu7x:2x2x1
jax: 0.10.2.dev20260603
libtpu: 0.0.44.dev20260713+nightly
codegen_flags: <defaults>
</compile_context>

<pallas_src>
import functools

import jax
import jax.numpy as jnp
from jax import lax
from jax.experimental import pallas as pl
from jax.experimental.pallas import tpu as pltpu
from jax.experimental.pallas import tpu_sc as plsc

N = 10000
N_PAD = 10240
E = 320000
D = 128

NC = 2
NS = 16
NW = NC * NS
CHUNK = 128
CPW = 79
E_PAD = NW * CPW * CHUNK
CPW0 = 98
CPW1 = 59
E_PAD_AGG = NS * (CPW0 + CPW1) * CHUNK
ROWS_PER_SUB = N_PAD // NS

BR = 1280
GRID = N_PAD // BR

_sc_mesh = plsc.VectorSubcoreMesh(core_axis_name="c", subcore_axis_name="s")




def _sc_deg_body(dst3_hbm, ones_hbm, zeros_hbm, out_hbm, dst_v, ones_v, acc_sh):
    c = lax.axis_index("c")
    s = lax.axis_index("s")
    wid = s * NC + c
    pltpu.sync_copy(dst3_hbm.at[wid], dst_v)
    pltpu.sync_copy(ones_hbm, ones_v)
    sl = pl.ds(s * ROWS_PER_SUB, ROWS_PER_SUB)
    pltpu.sync_copy(zeros_hbm.at[sl], acc_sh.at[sl])
    plsc.subcore_barrier()

    def body(i, carry):
        pltpu.sync_copy(ones_v, acc_sh.at[dst_v.at[i]], add=True)
        return carry

    lax.fori_loop(0, CPW, body, 0)
    plsc.subcore_barrier()
    pltpu.sync_copy(acc_sh.at[sl],
                    out_hbm.at[pl.ds(c * N_PAD + s * ROWS_PER_SUB, ROWS_PER_SUB)])


def _sc_agg_body(src3_hbm, dst3_hbm, g_hbm, zeros_hbm, out_hbm,
                 src_v, dst_v, rows_v, acc_sh, sem):
    c = lax.axis_index("c")
    s = lax.axis_index("s")
    wid = s * NC + c
    pltpu.sync_copy(src3_hbm.at[wid], src_v)
    pltpu.sync_copy(dst3_hbm.at[wid], dst_v)
    sl = pl.ds(s * ROWS_PER_SUB, ROWS_PER_SUB)
    pltpu.sync_copy(zeros_hbm.at[sl], acc_sh.at[sl])
    plsc.subcore_barrier()

    def body(i, carry):
        pltpu.async_copy(g_hbm.at[src_v.at[i]], rows_v, sem).wait()
        pltpu.sync_copy(rows_v, acc_sh.at[dst_v.at[i]], add=True)
        return carry

    n_chunks = lax.select(c == 0, jnp.int32(CPW0), jnp.int32(CPW1))
    lax.fori_loop(0, n_chunks, body, 0)
    plsc.subcore_barrier()
    pltpu.sync_copy(acc_sh.at[sl], out_hbm.at[pl.ds(c * N_PAD + s * ROWS_PER_SUB, ROWS_PER_SUB)])


_sc_deg = functools.partial(
    pl.kernel,
    out_type=jax.ShapeDtypeStruct((2 * N_PAD, D), jnp.float32),
    mesh=_sc_mesh,
    scratch_types=[
        pltpu.VMEM((CPW, CHUNK), jnp.int32),
        pltpu.VMEM((CHUNK, D), jnp.float32),
        pltpu.VMEM_SHARED((N_PAD, D), jnp.float32),
    ],
)(_sc_deg_body)

_sc_agg = functools.partial(
    pl.kernel,
    out_type=jax.ShapeDtypeStruct((2 * N_PAD, D), jnp.float32),
    mesh=_sc_mesh,
    scratch_types=[
        pltpu.VMEM((CPW0, CHUNK), jnp.int32),
        pltpu.VMEM((CPW0, CHUNK), jnp.int32),
        pltpu.VMEM((CHUNK, D), jnp.float32),
        pltpu.VMEM_SHARED((N_PAD, D), jnp.float32),
        pltpu.SemaphoreType.DMA,
    ],
)(_sc_agg_body)



def _dinv_block(degp_blk):
    deg = degp_blk[0, :, 0:1] + degp_blk[1, :, 0:1] + 1.0
    return lax.rsqrt(deg)


def _tc_b_body(degp, x, w1, g1_ref, dinv_ref):
    dinv = _dinv_block(degp)
    dinv_ref[...] = dinv
    g1_ref[...] = dinv * jnp.dot(x[...], w1[...], preferred_element_type=jnp.float32)


def _tc_d_body(dinv_in, aggp, g1, b1, w2, g2_ref):
    dinv = dinv_in[...]
    t = jnp.maximum(dinv * (aggp[0] + aggp[1] + g1[...]) + b1[...], 0.0)
    g2_ref[...] = dinv * jnp.dot(t, w2[...], preferred_element_type=jnp.float32)


def _tc_e_body(dinv_in, aggp, g2, b2, wm, bm, basis, cw,
               z_ref, cos_ref, out_ref, acc):
    i = pl.program_id(0)
    dinv = dinv_in[...]
    h2 = jnp.maximum(dinv * (aggp[0] + aggp[1] + g2[...]) + b2[...], 0.0)
    z = jnp.dot(h2, wm[...], preferred_element_type=jnp.float32) + bm[...]
    z_ref[...] = z
    cs = jnp.dot(z, basis[...], preferred_element_type=jnp.float32)
    nrm = jnp.sqrt(jnp.sum(z * z, axis=1, keepdims=True)) + 1e-8
    cos = cs / nrm
    cos_ref[...] = cos
    rows = i * BR + lax.broadcasted_iota(jnp.int32, (BR, 1), 0)
    psum = jnp.sum(jnp.where(rows < N, cos, 0.0), axis=0, keepdims=True)

    @pl.when(i == 0)
    def _():
        acc[...] = jnp.zeros_like(acc)
        out_ref[...] = jnp.zeros_like(out_ref)

    acc[...] += psum

    @pl.when(i == GRID - 1)
    def _():
        out_ref[...] = jnp.dot(acc[...] * (1.0 / N), cw[...],
                               preferred_element_type=jnp.float32)


_tc_b = pl.pallas_call(
    _tc_b_body,
    grid=(GRID,),
    in_specs=[
        pl.BlockSpec((2, BR, D), lambda i: (0, i, 0)),
        pl.BlockSpec((BR, D), lambda i: (i, 0)),
        pl.BlockSpec((D, D), lambda i: (0, 0)),
    ],
    out_specs=[
        pl.BlockSpec((BR, D), lambda i: (i, 0)),
        pl.BlockSpec((BR, 1), lambda i: (i, 0)),
    ],
    out_shape=[
        jax.ShapeDtypeStruct((N_PAD, D), jnp.float32),
        jax.ShapeDtypeStruct((N_PAD, 1), jnp.float32),
    ],
)

_tc_d = pl.pallas_call(
    _tc_d_body,
    grid=(GRID,),
    in_specs=[
        pl.BlockSpec((BR, 1), lambda i: (i, 0)),
        pl.BlockSpec((2, BR, D), lambda i: (0, i, 0)),
        pl.BlockSpec((BR, D), lambda i: (i, 0)),
        pl.BlockSpec((1, D), lambda i: (0, 0)),
        pl.BlockSpec((D, D), lambda i: (0, 0)),
    ],
    out_specs=pl.BlockSpec((BR, D), lambda i: (i, 0)),
    out_shape=jax.ShapeDtypeStruct((N_PAD, D), jnp.float32),
)

_OUT_COLS = 40
_NCLS = 10

_tc_e = pl.pallas_call(
    _tc_e_body,
    grid=(GRID,),
    in_specs=[
        pl.BlockSpec((BR, 1), lambda i: (i, 0)),
        pl.BlockSpec((2, BR, D), lambda i: (0, i, 0)),
        pl.BlockSpec((BR, D), lambda i: (i, 0)),
        pl.BlockSpec((1, D), lambda i: (0, 0)),
        pl.BlockSpec((D, D), lambda i: (0, 0)),
        pl.BlockSpec((1, D), lambda i: (0, 0)),
        pl.BlockSpec((D, _OUT_COLS), lambda i: (0, 0)),
        pl.BlockSpec((_OUT_COLS, _NCLS), lambda i: (0, 0)),
    ],
    out_specs=[
        pl.BlockSpec((BR, D), lambda i: (i, 0)),
        pl.BlockSpec((BR, _OUT_COLS), lambda i: (i, 0)),
        pl.BlockSpec((1, _NCLS), lambda i: (0, 0)),
    ],
    out_shape=[
        jax.ShapeDtypeStruct((N_PAD, D), jnp.float32),
        jax.ShapeDtypeStruct((N_PAD, _OUT_COLS), jnp.float32),
        jax.ShapeDtypeStruct((1, _NCLS), jnp.float32),
    ],
    scratch_shapes=[pltpu.VMEM((1, _OUT_COLS), jnp.float32)],
)



def kernel(x, edge_index, W1, b1, W2, b2, Wm, bm, basis_concepts, classifier_weights):
    src = edge_index[0]
    dst = edge_index[1]
    def agg_layout(idx):
        idxp = jnp.concatenate([idx, jnp.full((E_PAD_AGG - E,), N, jnp.int32)])
        n0 = NS * CPW0 * CHUNK
        e0 = idxp[:n0].reshape(NS, 1, CPW0, CHUNK)
        e1 = idxp[n0:].reshape(NS, 1, CPW1, CHUNK)
        e1 = jnp.pad(e1, ((0, 0), (0, 0), (0, CPW0 - CPW1), (0, 0)),
                     constant_values=N)
        return jnp.concatenate([e0, e1], axis=1).reshape(NW, CPW0, CHUNK)

    src3 = agg_layout(src)
    dst3 = agg_layout(dst)
    dstp = jnp.concatenate([dst, jnp.full((E_PAD - E,), N, jnp.int32)])
    dst3_deg = dstp.reshape(NW, CPW, CHUNK)
    xp = jnp.pad(x, ((0, N_PAD - N), (0, 0)))
    zeros_d = jnp.zeros((N_PAD, D), jnp.float32)
    ones_d = jnp.ones((CHUNK, D), jnp.float32)
    b1r = b1.reshape(1, D)
    b2r = b2.reshape(1, D)
    bmr = bm.reshape(1, D)

    degp = _sc_deg(dst3_deg, ones_d, zeros_d).reshape(2, N_PAD, D)
    g1, dinv = _tc_b(degp, xp, W1)
    agg1 = _sc_agg(src3, dst3, g1, zeros_d).reshape(2, N_PAD, D)
    g2 = _tc_d(dinv, agg1, g1, b1r, W2)
    agg2 = _sc_agg(src3, dst3, g2, zeros_d).reshape(2, N_PAD, D)
    z, cos, out = _tc_e(dinv, agg2, g2, b2r, Wm, bmr,
                        basis_concepts, classifier_weights)
    return out, z[:N], cos[:N]

# --- scband reference (transcript-rebuilt; emitter-appended) ---
"""Pipeline reference for scband-gcnnet-28235115004171 (READ-ONLY COPY).

The authoritative reference and input builder live on the scoring server;
editing this copy changes nothing except your own understanding.
"""

import jax, jax.numpy as jnp
import numpy as np

N_NODES = 10000
N_EDGES = 320000
D_IN = 128
D_HID = 128
BASIS_DIM = 128
OUT_DIM = 10
NUM_BASIS_PER_CLASS = 4


def gcn_conv(x, edge_index, W, b):
    # PyG GCNConv with add_self_loops=True, normalize=True, aggregation=sum
    src = edge_index[0]
    dst = edge_index[1]
    n = x.shape[0]
    loop = jnp.arange(n, dtype=src.dtype)
    src2 = jnp.concatenate([src, loop])
    dst2 = jnp.concatenate([dst, loop])
    h = x @ W
    deg = jnp.zeros((n,), h.dtype).at[dst2].add(1.0)
    dinv = jnp.where(deg > 0, deg ** -0.5, 0.0)
    norm = dinv[src2] * dinv[dst2]
    out = jnp.zeros_like(h).at[dst2].add(h[src2] * norm[:, None])
    return out + b


def make_classifier_weights():
    cw = np.ones((NUM_BASIS_PER_CLASS * OUT_DIM, OUT_DIM), dtype=np.float32)
    for c in range(OUT_DIM):
        cw[: c * NUM_BASIS_PER_CLASS, c] = -0.5
        cw[(c + 1) * NUM_BASIS_PER_CLASS :, c] = -0.5
    return jnp.asarray(cw)


def setup_inputs(seed: int = 0) -> dict:
    key = jax.random.key(seed)
    ks = jax.random.split(key, 10)
    x = jax.random.normal(ks[0], (N_NODES, D_IN), dtype=jnp.float32)
    edge_index = jax.random.randint(ks[1], (2, N_EDGES), 0, N_NODES, dtype=jnp.int32)
    s = 1.0 / np.sqrt(D_IN)
    W1 = jax.random.uniform(ks[2], (D_IN, D_HID), jnp.float32, -s, s)
    b1 = jnp.zeros((D_HID,), jnp.float32)
    W2 = jax.random.uniform(ks[3], (D_HID, D_HID), jnp.float32, -s, s)
    b2 = jnp.zeros((D_HID,), jnp.float32)
    Wm = jax.random.uniform(ks[4], (D_HID, BASIS_DIM), jnp.float32, -s, s)
    bm = jax.random.uniform(ks[5], (BASIS_DIM,), jnp.float32, -s, s)
    basis_concepts = jax.random.uniform(ks[6], (BASIS_DIM, NUM_BASIS_PER_CLASS * OUT_DIM), jnp.float32, 0.0, 1.0)
    classifier_weights = make_classifier_weights()
    return {
        "x": x,
        "edge_index": edge_index,
        "W1": W1, "b1": b1,
        "W2": W2, "b2": b2,
        "Wm": Wm, "bm": bm,
        "basis_concepts": basis_concepts,
        "classifier_weights": classifier_weights,
    }


def reference(x, edge_index, W1, b1, W2, b2, Wm, bm, basis_concepts, classifier_weights):
    # get_emb: two GCN layers with relu (dropout p=0 -> identity)
    h = jax.nn.relu(gcn_conv(x, edge_index, W1, b1))
    h = jax.nn.relu(gcn_conv(h, edge_index, W2, b2))
    # single MLP layer (fc_latent_dim=[] -> num_mlp_layers=1)
    z = h @ Wm + bm
    node_embs = z
    cosine = z @ basis_concepts
    cosine = cosine / (jnp.linalg.norm(z, axis=-1, keepdims=True) + 1e-08)
    # batch is all zeros -> global mean pool over all nodes into one graph
    pooled = jnp.mean(cosine, axis=0, keepdims=True)
    out = pooled @ classifier_weights
    return (out, node_embs, cosine)

if __name__ == "__main__":
    import jax
    _d = setup_inputs()
    print(jax.jit(kernel)(*tuple(_d.values())))

</pallas_src>

<mosaic_0001>
#map = affine_map<(d0, d1) -> (0, 0, 0)>
#map1 = affine_map<(d0, d1) -> (0, 0)>
module attributes {stable_mosaic.version = 14 : i64} {
  func.func @_sc_deg_body(%arg0: i32, %arg1: i32, %arg2: memref<32x79x128xi32, #tpu.memory_space<hbm>>, %arg3: memref<128x128xf32, #tpu.memory_space<hbm>>, %arg4: memref<10240x128xf32, #tpu.memory_space<hbm>>, %arg5: memref<20480x128xf32, #tpu.memory_space<hbm>>, %arg6: memref<79x128xi32, #tpu.memory_space<vmem>>, %arg7: memref<128x128xf32, #tpu.memory_space<vmem>>, %arg8: memref<10240x128xf32, #tpu.memory_space<vmem_shared>>) attributes {dimension_semantics = [#tpu.dimension_semantics<core_parallel>, #tpu.dimension_semantics<subcore_parallel>], iteration_bounds = array<i64: 2, 16>, scalar_prefetch = 0 : i64, scratch_operands = 3 : i64, tpu.core_type = #tpu.core_type<sc_vector_subcore>, window_params = [{transform_indices = #map}, {transform_indices = #map1}, {transform_indices = #map1}, {transform_indices = #map1}]} {
    %mul3A = arith.constant 2 : i32
    %mul3A_0 = arith.muli %arg1, %mul3A : i32
    %add3A = arith.addi %mul3A_0, %arg0 : i32
    "tpu.region"() ({
      %run_scoped3A = tpu.sem_alloc : memref<!tpu.dma_semaphore, #tpu.memory_space<semaphore_mem>>
      %dma_start3A = arith.constant 0 : i32
      %dma_start3A_14 = arith.constant 0 : i32
      %dma_start3A_15 = tpu.memref_slice %arg2[%add3A, %dma_start3A, %dma_start3A_14] : memref<32x79x128xi32, #tpu.memory_space<hbm>> -> memref<1x79x128xi32, #tpu.memory_space<hbm>>
      %dma_start3A_16 = tpu.memref_squeeze %dma_start3A_15 : memref<1x79x128xi32, #tpu.memory_space<hbm>> -> memref<79x128xi32, #tpu.memory_space<hbm>>
      %dma_start3A_17 = arith.constant 0 : i32
      %dma_start3A_18 = arith.constant 0 : i32
      %dma_start3A_19 = tpu.memref_slice %arg2[%add3A, %dma_start3A_17, %dma_start3A_18] : memref<32x79x128xi32, #tpu.memory_space<hbm>> -> memref<1x79x128xi32, #tpu.memory_space<hbm>>
      %dma_start3A_20 = tpu.memref_squeeze %dma_start3A_19 : memref<1x79x128xi32, #tpu.memory_space<hbm>> -> memref<79x128xi32, #tpu.memory_space<hbm>>
      tpu.enqueue_dma source(%dma_start3A_20 : memref<79x128xi32, #tpu.memory_space<hbm>>) target(%arg6 : memref<79x128xi32, #tpu.memory_space<vmem>>) target_semaphore(%run_scoped3A : memref<!tpu.dma_semaphore, #tpu.memory_space<semaphore_mem>>)
      %dma_wait3A = arith.constant 0 : i32
      %dma_wait3A_21 = arith.constant 0 : i32
      %dma_wait3A_22 = tpu.memref_slice %arg2[%add3A, %dma_wait3A, %dma_wait3A_21] : memref<32x79x128xi32, #tpu.memory_space<hbm>> -> memref<1x79x128xi32, #tpu.memory_space<hbm>>
      %dma_wait3A_23 = tpu.memref_squeeze %dma_wait3A_22 : memref<1x79x128xi32, #tpu.memory_space<hbm>> -> memref<79x128xi32, #tpu.memory_space<hbm>>
      %dma_wait3A_24 = arith.constant 0 : i32
      %dma_wait3A_25 = arith.constant 0 : i32
      %dma_wait3A_26 = tpu.memref_slice %arg2[%add3A, %dma_wait3A_24, %dma_wait3A_25] : memref<32x79x128xi32, #tpu.memory_space<hbm>> -> memref<1x79x128xi32, #tpu.memory_space<hbm>>
      %dma_wait3A_27 = tpu.memref_squeeze %dma_wait3A_26 : memref<1x79x128xi32, #tpu.memory_space<hbm>> -> memref<79x128xi32, #tpu.memory_space<hbm>>
      tpu.wait_dma2 semaphore(%run_scoped3A : memref<!tpu.dma_semaphore, #tpu.memory_space<semaphore_mem>>) src(%dma_wait3A_27 : memref<79x128xi32, #tpu.memory_space<hbm>>) dst(%arg6 : memref<79x128xi32, #tpu.memory_space<vmem>>)
      tpu.yield
    }) : () -> ()
    "tpu.region"() ({
      %run_scoped3A = tpu.sem_alloc : memref<!tpu.dma_semaphore, #tpu.memory_space<semaphore_mem>>
      tpu.enqueue_dma source(%arg3 : memref<128x128xf32, #tpu.memory_space<hbm>>) target(%arg7 : memref<128x128xf32, #tpu.memory_space<vmem>>) target_semaphore(%run_scoped3A : memref<!tpu.dma_semaphore, #tpu.memory_space<semaphore_mem>>)
      tpu.wait_dma2 semaphore(%run_scoped3A : memref<!tpu.dma_semaphore, #tpu.memory_space<semaphore_mem>>) src(%arg3 : memref<128x128xf32, #tpu.memory_space<hbm>>) dst(%arg7 : memref<128x128xf32, #tpu.memory_space<vmem>>)
      tpu.yield
    }) : () -> ()
    %mul3A_1 = arith.constant 640 : i32
    %mul3A_2 = arith.muli %arg1, %mul3A_1 : i32
    "tpu.region"() ({
      %run_scoped3A = tpu.sem_alloc : memref<!tpu.dma_semaphore, #tpu.memory_space<semaphore_mem>>
      %dma_start3A = arith.constant 0 : i32
      %dma_start3A_14 = tpu.memref_slice %arg8[%mul3A_2, %dma_start3A] : memref<10240x128xf32, #tpu.memory_space<vmem_shared>> -> memref<640x128xf32, #tpu.memory_space<vmem_shared>>
      %dma_start3A_15 = arith.constant 0 : i32
      %dma_start3A_16 = tpu.memref_slice %arg4[%mul3A_2, %dma_start3A_15] : memref<10240x128xf32, #tpu.memory_space<hbm>> -> memref<640x128xf32, #tpu.memory_space<hbm>>
      tpu.enqueue_dma source(%dma_start3A_16 : memref<640x128xf32, #tpu.memory_space<hbm>>) target(%dma_start3A_14 : memref<640x128xf32, #tpu.memory_space<vmem_shared>>) target_semaphore(%run_scoped3A : memref<!tpu.dma_semaphore, #tpu.memory_space<semaphore_mem>>)
      %dma_wait3A = arith.constant 0 : i32
      %dma_wait3A_17 = tpu.memref_slice %arg8[%mul3A_2, %dma_wait3A] : memref<10240x128xf32, #tpu.memory_space<vmem_shared>> -> memref<640x128xf32, #tpu.memory_space<vmem_shared>>
      %dma_wait3A_18 = arith.constant 0 : i32
      %dma_wait3A_19 = tpu.memref_slice %arg4[%mul3A_2, %dma_wait3A_18] : memref<10240x128xf32, #tpu.memory_space<hbm>> -> memref<640x128xf32, #tpu.memory_space<hbm>>
      tpu.wait_dma2 semaphore(%run_scoped3A : memref<!tpu.dma_semaphore, #tpu.memory_space<semaphore_mem>>) src(%dma_wait3A_19 : memref<640x128xf32, #tpu.memory_space<hbm>>) dst(%dma_wait3A_17 : memref<640x128xf32, #tpu.memory_space<vmem_shared>>)
      tpu.yield
    }) : () -> ()
    %barrier3A = arith.constant 0 : index
    tpu.barrier barrier_id(%barrier3A)
    %scan3A = arith.constant 0 : i32
    %scan3A_3 = arith.constant 0 : i32
    %scan3A_4 = arith.constant 79 : i32
    %scan3A_5 = arith.addi %scan3A_3, %scan3A_4 : i32
    %scan3A_6 = arith.constant 1 : i32
    scf.for %scan3A_14 = %scan3A_3 to %scan3A_5 step %scan3A_6  : i32 {
      "tpu.region"() ({
        %run_scoped3A = tpu.sem_alloc : memref<!tpu.dma_semaphore, #tpu.memory_space<semaphore_mem>>
        %dma_start3A = arith.constant 0 : i32
        %dma_start3A_15 = tpu.memref_slice %arg6[%scan3A_14, %dma_start3A] : memref<79x128xi32, #tpu.memory_space<vmem>> -> memref<1x128xi32, #tpu.memory_space<vmem>>
        %dma_start3A_16 = tpu.memref_squeeze %dma_start3A_15 : memref<1x128xi32, #tpu.memory_space<vmem>> -> memref<128xi32, #tpu.memory_space<vmem>>
        %dma_start3A_17 = arith.constant 0 : i32
        %dma_start3A_18 = arith.constant 0 : i32
        %dma_start3A_19 = tpu.memref_slice %arg8[%dma_start3A_17, %dma_start3A_18] : memref<10240x128xf32, #tpu.memory_space<vmem_shared>> -> memref<10240x128xf32, #tpu.memory_space<vmem_shared>>
        tpu.enqueue_indirect_dma source(%arg7 : memref<128x128xf32, #tpu.memory_space<vmem>>) target(%dma_start3A_19 : memref<10240x128xf32, #tpu.memory_space<vmem_shared>>) offsets(%dma_start3A_16 : memref<128xi32, #tpu.memory_space<vmem>>) semaphore(%run_scoped3A : memref<!tpu.dma_semaphore, #tpu.memory_space<semaphore_mem>>) {add = true}
        %dma_wait3A = arith.constant 0 : i32
        %dma_wait3A_20 = tpu.memref_slice %arg6[%scan3A_14, %dma_wait3A] : memref<79x128xi32, #tpu.memory_space<vmem>> -> memref<1x128xi32, #tpu.memory_space<vmem>>
        %dma_wait3A_21 = tpu.memref_squeeze %dma_wait3A_20 : memref<1x128xi32, #tpu.memory_space<vmem>> -> memref<128xi32, #tpu.memory_space<vmem>>
        %dma_wait3A_22 = arith.constant 0 : i32
        %dma_wait3A_23 = arith.constant 0 : i32
        %dma_wait3A_24 = tpu.memref_slice %arg8[%dma_wait3A_22, %dma_wait3A_23] : memref<10240x128xf32, #tpu.memory_space<vmem_shared>> -> memref<10240x128xf32, #tpu.memory_space<vmem_shared>>
        tpu.wait_indirect_dma semaphore(%run_scoped3A : memref<!tpu.dma_semaphore, #tpu.memory_space<semaphore_mem>>) src(%arg7 : memref<128x128xf32, #tpu.memory_space<vmem>>) dst(%dma_wait3A_24 : memref<10240x128xf32, #tpu.memory_space<vmem_shared>>)
        tpu.yield
      }) : () -> ()
    }
    %scan3A_7 = arith.constant 79 : i32
    %barrier3A_8 = arith.constant 0 : index
    tpu.barrier barrier_id(%barrier3A_8)
    %mul3A_9 = arith.constant 10240 : i32
    %mul3A_10 = arith.muli %arg0, %mul3A_9 : i32
    %mul3A_11 = arith.constant 640 : i32
    %mul3A_12 = arith.muli %arg1, %mul3A_11 : i32
    %add3A_13 = arith.addi %mul3A_10, %mul3A_12 : i32
    "tpu.region"() ({
      %run_scoped3A = tpu.sem_alloc : memref<!tpu.dma_semaphore, #tpu.memory_space<semaphore_mem>>
      %dma_start3A = arith.constant 0 : i32
      %dma_start3A_14 = tpu.memref_slice %arg5[%add3A_13, %dma_start3A] : memref<20480x128xf32, #tpu.memory_space<hbm>> -> memref<640x128xf32, #tpu.memory_space<hbm>>
      %dma_start3A_15 = arith.constant 0 : i32
      %dma_start3A_16 = tpu.memref_slice %arg8[%mul3A_2, %dma_start3A_15] : memref<10240x128xf32, #tpu.memory_space<vmem_shared>> -> memref<640x128xf32, #tpu.memory_space<vmem_shared>>
      tpu.enqueue_dma source(%dma_start3A_16 : memref<640x128xf32, #tpu.memory_space<vmem_shared>>) target(%dma_start3A_14 : memref<640x128xf32, #tpu.memory_space<hbm>>) target_semaphore(%run_scoped3A : memref<!tpu.dma_semaphore, #tpu.memory_space<semaphore_mem>>)
      %dma_wait3A = arith.constant 0 : i32
      %dma_wait3A_17 = tpu.memref_slice %arg5[%add3A_13, %dma_wait3A] : memref<20480x128xf32, #tpu.memory_space<hbm>> -> memref<640x128xf32, #tpu.memory_space<hbm>>
      %dma_wait3A_18 = arith.constant 0 : i32
      %dma_wait3A_19 = tpu.memref_slice %arg8[%mul3A_2, %dma_wait3A_18] : memref<10240x128xf32, #tpu.memory_space<vmem_shared>> -> memref<640x128xf32, #tpu.memory_space<vmem_shared>>
      tpu.wait_dma2 semaphore(%run_scoped3A : memref<!tpu.dma_semaphore, #tpu.memory_space<semaphore_mem>>) src(%dma_wait3A_19 : memref<640x128xf32, #tpu.memory_space<vmem_shared>>) dst(%dma_wait3A_17 : memref<640x128xf32, #tpu.memory_space<hbm>>)
      tpu.yield
    }) : () -> ()
    return
  }
}

#map = affine_map<(d0, d1) -> (0, 0, 0)>
#map1 = affine_map<(d0, d1) -> (0, 0)>
module attributes {stable_mosaic.version = 14 : i64} {
  func.func @_sc_agg_body(%arg0: i32, %arg1: i32, %arg2: memref<32x98x128xi32, #tpu.memory_space<hbm>>, %arg3: memref<32x98x128xi32, #tpu.memory_space<hbm>>, %arg4: memref<10240x128xf32, #tpu.memory_space<hbm>>, %arg5: memref<10240x128xf32, #tpu.memory_space<hbm>>, %arg6: memref<20480x128xf32, #tpu.memory_space<hbm>>, %arg7: memref<98x128xi32, #tpu.memory_space<vmem>>, %arg8: memref<98x128xi32, #tpu.memory_space<vmem>>, %arg9: memref<128x128xf32, #tpu.memory_space<vmem>>, %arg10: memref<10240x128xf32, #tpu.memory_space<vmem_shared>>, %arg11: memref<!tpu.dma_semaphore, #tpu.memory_space<semaphore_mem>>) attributes {dimension_semantics = [#tpu.dimension_semantics<core_parallel>, #tpu.dimension_semantics<subcore_parallel>], iteration_bounds = array<i64: 2, 16>, scalar_prefetch = 0 : i64, scratch_operands = 5 : i64, tpu.core_type = #tpu.core_type<sc_vector_subcore>, window_params = [{transform_indices = #map}, {transform_indices = #map}, {transform_indices = #map1}, {transform_indices = #map1}, {transform_indices = #map1}]} {
    %mul3A = arith.constant 2 : i32
    %mul3A_0 = arith.muli %arg1, %mul3A : i32
    %add3A = arith.addi %mul3A_0, %arg0 : i32
    "tpu.region"() ({
      %run_scoped3A = tpu.sem_alloc : memref<!tpu.dma_semaphore, #tpu.memory_space<semaphore_mem>>
      %dma_start3A = arith.constant 0 : i32
      %dma_start3A_21 = arith.constant 0 : i32
      %dma_start3A_22 = tpu.memref_slice %arg2[%add3A, %dma_start3A, %dma_start3A_21] : memref<32x98x128xi32, #tpu.memory_space<hbm>> -> memref<1x98x128xi32, #tpu.memory_space<hbm>>
      %dma_start3A_23 = tpu.memref_squeeze %dma_start3A_22 : memref<1x98x128xi32, #tpu.memory_space<hbm>> -> memref<98x128xi32, #tpu.memory_space<hbm>>
      %dma_start3A_24 = arith.constant 0 : i32
      %dma_start3A_25 = arith.constant 0 : i32
      %dma_start3A_26 = tpu.memref_slice %arg2[%add3A, %dma_start3A_24, %dma_start3A_25] : memref<32x98x128xi32, #tpu.memory_space<hbm>> -> memref<1x98x128xi32, #tpu.memory_space<hbm>>
      %dma_start3A_27 = tpu.memref_squeeze %dma_start3A_26 : memref<1x98x128xi32, #tpu.memory_space<hbm>> -> memref<98x128xi32, #tpu.memory_space<hbm>>
      tpu.enqueue_dma source(%dma_start3A_27 : memref<98x128xi32, #tpu.memory_space<hbm>>) target(%arg7 : memref<98x128xi32, #tpu.memory_space<vmem>>) target_semaphore(%run_scoped3A : memref<!tpu.dma_semaphore, #tpu.memory_space<semaphore_mem>>)
      %dma_wait3A = arith.constant 0 : i32
      %dma_wait3A_28 = arith.constant 0 : i32
      %dma_wait3A_29 = tpu.memref_slice %arg2[%add3A, %dma_wait3A, %dma_wait3A_28] : memref<32x98x128xi32, #tpu.memory_space<hbm>> -> memref<1x98x128xi32, #tpu.memory_space<hbm>>
      %dma_wait3A_30 = tpu.memref_squeeze %dma_wait3A_29 : memref<1x98x128xi32, #tpu.memory_space<hbm>> -> memref<98x128xi32, #tpu.memory_space<hbm>>
      %dma_wait3A_31 = arith.constant 0 : i32
      %dma_wait3A_32 = arith.constant 0 : i32
      %dma_wait3A_33 = tpu.memref_slice %arg2[%add3A, %dma_wait3A_31, %dma_wait3A_32] : memref<32x98x128xi32, #tpu.memory_space<hbm>> -> memref<1x98x128xi32, #tpu.memory_space<hbm>>
      %dma_wait3A_34 = tpu.memref_squeeze %dma_wait3A_33 : memref<1x98x128xi32, #tpu.memory_space<hbm>> -> memref<98x128xi32, #tpu.memory_space<hbm>>
      tpu.wait_dma2 semaphore(%run_scoped3A : memref<!tpu.dma_semaphore, #tpu.memory_space<semaphore_mem>>) src(%dma_wait3A_34 : memref<98x128xi32, #tpu.memory_space<hbm>>) dst(%arg7 : memref<98x128xi32, #tpu.memory_space<vmem>>)
      tpu.yield
    }) : () -> ()
    "tpu.region"() ({
      %run_scoped3A = tpu.sem_alloc : memref<!tpu.dma_semaphore, #tpu.memory_space<semaphore_mem>>
      %dma_start3A = arith.constant 0 : i32
      %dma_start3A_21 = arith.constant 0 : i32
      %dma_start3A_22 = tpu.memref_slice %arg3[%add3A, %dma_start3A, %dma_start3A_21] : memref<32x98x128xi32, #tpu.memory_space<hbm>> -> memref<1x98x128xi32, #tpu.memory_space<hbm>>
      %dma_start3A_23 = tpu.memref_squeeze %dma_start3A_22 : memref<1x98x128xi32, #tpu.memory_space<hbm>> -> memref<98x128xi32, #tpu.memory_space<hbm>>
      %dma_start3A_24 = arith.constant 0 : i32
      %dma_start3A_25 = arith.constant 0 : i32
      %dma_start3A_26 = tpu.memref_slice %arg3[%add3A, %dma_start3A_24, %dma_start3A_25] : memref<32x98x128xi32, #tpu.memory_space<hbm>> -> memref<1x98x128xi32, #tpu.memory_space<hbm>>
      %dma_start3A_27 = tpu.memref_squeeze %dma_start3A_26 : memref<1x98x128xi32, #tpu.memory_space<hbm>> -> memref<98x128xi32, #tpu.memory_space<hbm>>
      tpu.enqueue_dma source(%dma_start3A_27 : memref<98x128xi32, #tpu.memory_space<hbm>>) target(%arg8 : memref<98x128xi32, #tpu.memory_space<vmem>>) target_semaphore(%run_scoped3A : memref<!tpu.dma_semaphore, #tpu.memory_space<semaphore_mem>>)
      %dma_wait3A = arith.constant 0 : i32
      %dma_wait3A_28 = arith.constant 0 : i32
      %dma_wait3A_29 = tpu.memref_slice %arg3[%add3A, %dma_wait3A, %dma_wait3A_28] : memref<32x98x128xi32, #tpu.memory_space<hbm>> -> memref<1x98x128xi32, #tpu.memory_space<hbm>>
      %dma_wait3A_30 = tpu.memref_squeeze %dma_wait3A_29 : memref<1x98x128xi32, #tpu.memory_space<hbm>> -> memref<98x128xi32, #tpu.memory_space<hbm>>
      %dma_wait3A_31 = arith.constant 0 : i32
      %dma_wait3A_32 = arith.constant 0 : i32
      %dma_wait3A_33 = tpu.memref_slice %arg3[%add3A, %dma_wait3A_31, %dma_wait3A_32] : memref<32x98x128xi32, #tpu.memory_space<hbm>> -> memref<1x98x128xi32, #tpu.memory_space<hbm>>
      %dma_wait3A_34 = tpu.memref_squeeze %dma_wait3A_33 : memref<1x98x128xi32, #tpu.memory_space<hbm>> -> memref<98x128xi32, #tpu.memory_space<hbm>>
      tpu.wait_dma2 semaphore(%run_scoped3A : memref<!tpu.dma_semaphore, #tpu.memory_space<semaphore_mem>>) src(%dma_wait3A_34 : memref<98x128xi32, #tpu.memory_space<hbm>>) dst(%arg8 : memref<98x128xi32, #tpu.memory_space<vmem>>)
      tpu.yield
    }) : () -> ()
    %mul3A_1 = arith.constant 640 : i32
    %mul3A_2 = arith.muli %arg1, %mul3A_1 : i32
    "tpu.region"() ({
      %run_scoped3A = tpu.sem_alloc : memref<!tpu.dma_semaphore, #tpu.memory_space<semaphore_mem>>
      %dma_start3A = arith.constant 0 : i32
      %dma_start3A_21 = tpu.memref_slice %arg10[%mul3A_2, %dma_start3A] : memref<10240x128xf32, #tpu.memory_space<vmem_shared>> -> memref<640x128xf32, #tpu.memory_space<vmem_shared>>
      %dma_start3A_22 = arith.constant 0 : i32
      %dma_start3A_23 = tpu.memref_slice %arg5[%mul3A_2, %dma_start3A_22] : memref<10240x128xf32, #tpu.memory_space<hbm>> -> memref<640x128xf32, #tpu.memory_space<hbm>>
      tpu.enqueue_dma source(%dma_start3A_23 : memref<640x128xf32, #tpu.memory_space<hbm>>) target(%dma_start3A_21 : memref<640x128xf32, #tpu.memory_space<vmem_shared>>) target_semaphore(%run_scoped3A : memref<!tpu.dma_semaphore, #tpu.memory_space<semaphore_mem>>)
      %dma_wait3A = arith.constant 0 : i32
      %dma_wait3A_24 = tpu.memref_slice %arg10[%mul3A_2, %dma_wait3A] : memref<10240x128xf32, #tpu.memory_space<vmem_shared>> -> memref<640x128xf32, #tpu.memory_space<vmem_shared>>
      %dma_wait3A_25 = arith.constant 0 : i32
      %dma_wait3A_26 = tpu.memref_slice %arg5[%mul3A_2, %dma_wait3A_25] : memref<10240x128xf32, #tpu.memory_space<hbm>> -> memref<640x128xf32, #tpu.memory_space<hbm>>
      tpu.wait_dma2 semaphore(%run_scoped3A : memref<!tpu.dma_semaphore, #tpu.memory_space<semaphore_mem>>) src(%dma_wait3A_26 : memref<640x128xf32, #tpu.memory_space<hbm>>) dst(%dma_wait3A_24 : memref<640x128xf32, #tpu.memory_space<vmem_shared>>)
      tpu.yield
    }) : () -> ()
    %barrier3A = arith.constant 0 : index
    tpu.barrier barrier_id(%barrier3A)
    %eq3A = arith.constant 0 : i32
    %eq3A_3 = arith.cmpi eq, %arg0, %eq3A : i32
    %select_n3A = arith.constant 59 : i32
    %select_n3A_4 = arith.constant 98 : i32
    %select_n3A_5 = arith.select %eq3A_3, %select_n3A_4, %select_n3A : i32
    %while3A = arith.constant 0 : i32
    %while3A_6 = arith.constant 0 : i32
    %while3A_7 = arith.subi %select_n3A_5, %while3A_6 : i32
    %while3A_8 = arith.addi %while3A_6, %while3A_7 : i32
    %while3A_9 = arith.constant 1 : i32
    %while3A_10 = arith.divsi %while3A_7, %while3A_9 : i32
    %while3A_11 = arith.muli %while3A_10, %while3A_9 : i32
    %while3A_12 = arith.addi %while3A_6, %while3A_11 : i32
    %while3A_13 = arith.constant 1 : i32
    scf.for %while3A_21 = %while3A_6 to %while3A_12 step %while3A_13  : i32 {
      %dma_start3A = arith.constant 0 : i32
      %dma_start3A_22 = tpu.memref_slice %arg7[%while3A_21, %dma_start3A] : memref<98x128xi32, #tpu.memory_space<vmem>> -> memref<1x128xi32, #tpu.memory_space<vmem>>
      %dma_start3A_23 = tpu.memref_squeeze %dma_start3A_22 : memref<1x128xi32, #tpu.memory_space<vmem>> -> memref<128xi32, #tpu.memory_space<vmem>>
      %dma_start3A_24 = arith.constant 0 : i32
      %dma_start3A_25 = arith.constant 0 : i32
      %dma_start3A_26 = tpu.memref_slice %arg4[%dma_start3A_24, %dma_start3A_25] : memref<10240x128xf32, #tpu.memory_space<hbm>> -> memref<10240x128xf32, #tpu.memory_space<hbm>>
      tpu.enqueue_indirect_dma source(%dma_start3A_26 : memref<10240x128xf32, #tpu.memory_space<hbm>>) target(%arg9 : memref<128x128xf32, #tpu.memory_space<vmem>>) offsets(%dma_start3A_23 : memref<128xi32, #tpu.memory_space<vmem>>) semaphore(%arg11 : memref<!tpu.dma_semaphore, #tpu.memory_space<semaphore_mem>>)
      %dma_wait3A = arith.constant 0 : i32
      %dma_wait3A_27 = tpu.memref_slice %arg7[%while3A_21, %dma_wait3A] : memref<98x128xi32, #tpu.memory_space<vmem>> -> memref<1x128xi32, #tpu.memory_space<vmem>>
      %dma_wait3A_28 = tpu.memref_squeeze %dma_wait3A_27 : memref<1x128xi32, #tpu.memory_space<vmem>> -> memref<128xi32, #tpu.memory_space<vmem>>
      %dma_wait3A_29 = arith.constant 0 : i32
      %dma_wait3A_30 = arith.constant 0 : i32
      %dma_wait3A_31 = tpu.memref_slice %arg4[%dma_wait3A_29, %dma_wait3A_30] : memref<10240x128xf32, #tpu.memory_space<hbm>> -> memref<10240x128xf32, #tpu.memory_space<hbm>>
      tpu.wait_indirect_dma semaphore(%arg11 : memref<!tpu.dma_semaphore, #tpu.memory_space<semaphore_mem>>) src(%dma_wait3A_31 : memref<10240x128xf32, #tpu.memory_space<hbm>>) dst(%arg9 : memref<128x128xf32, #tpu.memory_space<vmem>>)
      "tpu.region"() ({
        %run_scoped3A = tpu.sem_alloc : memref<!tpu.dma_semaphore, #tpu.memory_space<semaphore_mem>>
        %dma_start3A_32 = arith.constant 0 : i32
        %dma_start3A_33 = tpu.memref_slice %arg8[%while3A_21, %dma_start3A_32] : memref<98x128xi32, #tpu.memory_space<vmem>> -> memref<1x128xi32, #tpu.memory_space<vmem>>
        %dma_start3A_34 = tpu.memref_squeeze %dma_start3A_33 : memref<1x128xi32, #tpu.memory_space<vmem>> -> memref<128xi32, #tpu.memory_space<vmem>>
        %dma_start3A_35 = arith.constant 0 : i32
        %dma_start3A_36 = arith.constant 0 : i32
        %dma_start3A_37 = tpu.memref_slice %arg10[%dma_start3A_35, %dma_start3A_36] : memref<10240x128xf32, #tpu.memory_space<vmem_shared>> -> memref<10240x128xf32, #tpu.memory_space<vmem_shared>>
        tpu.enqueue_indirect_dma source(%arg9 : memref<128x128xf32, #tpu.memory_space<vmem>>) target(%dma_start3A_37 : memref<10240x128xf32, #tpu.memory_space<vmem_shared>>) offsets(%dma_start3A_34 : memref<128xi32, #tpu.memory_space<vmem>>) semaphore(%run_scoped3A : memref<!tpu.dma_semaphore, #tpu.memory_space<semaphore_mem>>) {add = true}
        %dma_wait3A_38 = arith.constant 0 : i32
        %dma_wait3A_39 = tpu.memref_slice %arg8[%while3A_21, %dma_wait3A_38] : memref<98x128xi32, #tpu.memory_space<vmem>> -> memref<1x128xi32, #tpu.memory_space<vmem>>
        %dma_wait3A_40 = tpu.memref_squeeze %dma_wait3A_39 : memref<1x128xi32, #tpu.memory_space<vmem>> -> memref<128xi32, #tpu.memory_space<vmem>>
        %dma_wait3A_41 = arith.constant 0 : i32
        %dma_wait3A_42 = arith.constant 0 : i32
        %dma_wait3A_43 = tpu.memref_slice %arg10[%dma_wait3A_41, %dma_wait3A_42] : memref<10240x128xf32, #tpu.memory_space<vmem_shared>> -> memref<10240x128xf32, #tpu.memory_space<vmem_shared>>
        tpu.wait_indirect_dma semaphore(%run_scoped3A : memref<!tpu.dma_semaphore, #tpu.memory_space<semaphore_mem>>) src(%arg9 : memref<128x128xf32, #tpu.memory_space<vmem>>) dst(%dma_wait3A_43 : memref<10240x128xf32, #tpu.memory_space<vmem_shared>>)
        tpu.yield
      }) : () -> ()
    }
    %while3A_14 = arith.constant 1 : i32
    scf.for %while3A_21 = %while3A_12 to %while3A_8 step %while3A_14  : i32 {
      %dma_start3A = arith.constant 0 : i32
      %dma_start3A_22 = tpu.memref_slice %arg7[%while3A_21, %dma_start3A] : memref<98x128xi32, #tpu.memory_space<vmem>> -> memref<1x128xi32, #tpu.memory_space<vmem>>
      %dma_start3A_23 = tpu.memref_squeeze %dma_start3A_22 : memref<1x128xi32, #tpu.memory_space<vmem>> -> memref<128xi32, #tpu.memory_space<vmem>>
      %dma_start3A_24 = arith.constant 0 : i32
      %dma_start3A_25 = arith.constant 0 : i32
      %dma_start3A_26 = tpu.memref_slice %arg4[%dma_start3A_24, %dma_start3A_25] : memref<10240x128xf32, #tpu.memory_space<hbm>> -> memref<10240x128xf32, #tpu.memory_space<hbm>>
      tpu.enqueue_indirect_dma source(%dma_start3A_26 : memref<10240x128xf32, #tpu.memory_space<hbm>>) target(%arg9 : memref<128x128xf32, #tpu.memory_space<vmem>>) offsets(%dma_start3A_23 : memref<128xi32, #tpu.memory_space<vmem>>) semaphore(%arg11 : memref<!tpu.dma_semaphore, #tpu.memory_space<semaphore_mem>>)
      %dma_wait3A = arith.constant 0 : i32
      %dma_wait3A_27 = tpu.memref_slice %arg7[%while3A_21, %dma_wait3A] : memref<98x128xi32, #tpu.memory_space<vmem>> -> memref<1x128xi32, #tpu.memory_space<vmem>>
      %dma_wait3A_28 = tpu.memref_squeeze %dma_wait3A_27 : memref<1x128xi32, #tpu.memory_space<vmem>> -> memref<128xi32, #tpu.memory_space<vmem>>
      %dma_wait3A_29 = arith.constant 0 : i32
      %dma_wait3A_30 = arith.constant 0 : i32
      %dma_wait3A_31 = tpu.memref_slice %arg4[%dma_wait3A_29, %dma_wait3A_30] : memref<10240x128xf32, #tpu.memory_space<hbm>> -> memref<10240x128xf32, #tpu.memory_space<hbm>>
      tpu.wait_indirect_dma semaphore(%arg11 : memref<!tpu.dma_semaphore, #tpu.memory_space<semaphore_mem>>) src(%dma_wait3A_31 : memref<10240x128xf32, #tpu.memory_space<hbm>>) dst(%arg9 : memref<128x128xf32, #tpu.memory_space<vmem>>)
      "tpu.region"() ({
        %run_scoped3A = tpu.sem_alloc : memref<!tpu.dma_semaphore, #tpu.memory_space<semaphore_mem>>
        %dma_start3A_32 = arith.constant 0 : i32
        %dma_start3A_33 = tpu.memref_slice %arg8[%while3A_21, %dma_start3A_32] : memref<98x128xi32, #tpu.memory_space<vmem>> -> memref<1x128xi32, #tpu.memory_space<vmem>>
        %dma_start3A_34 = tpu.memref_squeeze %dma_start3A_33 : memref<1x128xi32, #tpu.memory_space<vmem>> -> memref<128xi32, #tpu.memory_space<vmem>>
        %dma_start3A_35 = arith.constant 0 : i32
        %dma_start3A_36 = arith.constant 0 : i32
        %dma_start3A_37 = tpu.memref_slice %arg10[%dma_start3A_35, %dma_start3A_36] : memref<10240x128xf32, #tpu.memory_space<vmem_shared>> -> memref<10240x128xf32, #tpu.memory_space<vmem_shared>>
        tpu.enqueue_indirect_dma source(%arg9 : memref<128x128xf32, #tpu.memory_space<vmem>>) target(%dma_start3A_37 : memref<10240x128xf32, #tpu.memory_space<vmem_shared>>) offsets(%dma_start3A_34 : memref<128xi32, #tpu.memory_space<vmem>>) semaphore(%run_scoped3A : memref<!tpu.dma_semaphore, #tpu.memory_space<semaphore_mem>>) {add = true}
        %dma_wait3A_38 = arith.constant 0 : i32
        %dma_wait3A_39 = tpu.memref_slice %arg8[%while3A_21, %dma_wait3A_38] : memref<98x128xi32, #tpu.memory_space<vmem>> -> memref<1x128xi32, #tpu.memory_space<vmem>>
        %dma_wait3A_40 = tpu.memref_squeeze %dma_wait3A_39 : memref<1x128xi32, #tpu.memory_space<vmem>> -> memref<128xi32, #tpu.memory_space<vmem>>
        %dma_wait3A_41 = arith.constant 0 : i32
        %dma_wait3A_42 = arith.constant 0 : i32
        %dma_wait3A_43 = tpu.memref_slice %arg10[%dma_wait3A_41, %dma_wait3A_42] : memref<10240x128xf32, #tpu.memory_space<vmem_shared>> -> memref<10240x128xf32, #tpu.memory_space<vmem_shared>>
        tpu.wait_indirect_dma semaphore(%run_scoped3A : memref<!tpu.dma_semaphore, #tpu.memory_space<semaphore_mem>>) src(%arg9 : memref<128x128xf32, #tpu.memory_space<vmem>>) dst(%dma_wait3A_43 : memref<10240x128xf32, #tpu.memory_space<vmem_shared>>)
        tpu.yield
      }) : () -> ()
    }
    %barrier3A_15 = arith.constant 0 : index
    tpu.barrier barrier_id(%barrier3A_15)
    %mul3A_16 = arith.constant 10240 : i32
    %mul3A_17 = arith.muli %arg0, %mul3A_16 : i32
    %mul3A_18 = arith.constant 640 : i32
    %mul3A_19 = arith.muli %arg1, %mul3A_18 : i32
    %add3A_20 = arith.addi %mul3A_17, %mul3A_19 : i32
    "tpu.region"() ({
      %run_scoped3A = tpu.sem_alloc : memref<!tpu.dma_semaphore, #tpu.memory_space<semaphore_mem>>
      %dma_start3A = arith.constant 0 : i32
      %dma_start3A_21 = tpu.memref_slice %arg6[%add3A_20, %dma_start3A] : memref<20480x128xf32, #tpu.memory_space<hbm>> -> memref<640x128xf32, #tpu.memory_space<hbm>>
      %dma_start3A_22 = arith.constant 0 : i32
      %dma_start3A_23 = tpu.memref_slice %arg10[%mul3A_2, %dma_start3A_22] : memref<10240x128xf32, #tpu.memory_space<vmem_shared>> -> memref<640x128xf32, #tpu.memory_space<vmem_shared>>
      tpu.enqueue_dma source(%dma_start3A_23 : memref<640x128xf32, #tpu.memory_space<vmem_shared>>) target(%dma_start3A_21 : memref<640x128xf32, #tpu.memory_space<hbm>>) target_semaphore(%run_scoped3A : memref<!tpu.dma_semaphore, #tpu.memory_space<semaphore_mem>>)
      %dma_wait3A = arith.constant 0 : i32
      %dma_wait3A_24 = tpu.memref_slice %arg6[%add3A_20, %dma_wait3A] : memref<20480x128xf32, #tpu.memory_space<hbm>> -> memref<640x128xf32, #tpu.memory_space<hbm>>
      %dma_wait3A_25 = arith.constant 0 : i32
      %dma_wait3A_26 = tpu.memref_slice %arg10[%mul3A_2, %dma_wait3A_25] : memref<10240x128xf32, #tpu.memory_space<vmem_shared>> -> memref<640x128xf32, #tpu.memory_space<vmem_shared>>
      tpu.wait_dma2 semaphore(%run_scoped3A : memref<!tpu.dma_semaphore, #tpu.memory_space<semaphore_mem>>) src(%dma_wait3A_26 : memref<640x128xf32, #tpu.memory_space<vmem_shared>>) dst(%dma_wait3A_24 : memref<640x128xf32, #tpu.memory_space<hbm>>)
      tpu.yield
    }) : () -> ()
    return
  }
}

#map = affine_map<(d0, d1) -> (0, 0, 0)>
#map1 = affine_map<(d0, d1) -> (0, 0)>
module attributes {stable_mosaic.version = 14 : i64} {
  func.func @_sc_agg_body(%arg0: i32, %arg1: i32, %arg2: memref<32x98x128xi32, #tpu.memory_space<hbm>>, %arg3: memref<32x98x128xi32, #tpu.memory_space<hbm>>, %arg4: memref<10240x128xf32, #tpu.memory_space<hbm>>, %arg5: memref<10240x128xf32, #tpu.memory_space<hbm>>, %arg6: memref<20480x128xf32, #tpu.memory_space<hbm>>, %arg7: memref<98x128xi32, #tpu.memory_space<vmem>>, %arg8: memref<98x128xi32, #tpu.memory_space<vmem>>, %arg9: memref<128x128xf32, #tpu.memory_space<vmem>>, %arg10: memref<10240x128xf32, #tpu.memory_space<vmem_shared>>, %arg11: memref<!tpu.dma_semaphore, #tpu.memory_space<semaphore_mem>>) attributes {dimension_semantics = [#tpu.dimension_semantics<core_parallel>, #tpu.dimension_semantics<subcore_parallel>], iteration_bounds = array<i64: 2, 16>, scalar_prefetch = 0 : i64, scratch_operands = 5 : i64, tpu.core_type = #tpu.core_type<sc_vector_subcore>, window_params = [{transform_indices = #map}, {transform_indices = #map}, {transform_indices = #map1}, {transform_indices = #map1}, {transform_indices = #map1}]} {
    %mul3A = arith.constant 2 : i32
    %mul3A_0 = arith.muli %arg1, %mul3A : i32
    %add3A = arith.addi %mul3A_0, %arg0 : i32
    "tpu.region"() ({
      %run_scoped3A = tpu.sem_alloc : memref<!tpu.dma_semaphore, #tpu.memory_space<semaphore_mem>>
      %dma_start3A = arith.constant 0 : i32
      %dma_start3A_21 = arith.constant 0 : i32
      %dma_start3A_22 = tpu.memref_slice %arg2[%add3A, %dma_start3A, %dma_start3A_21] : memref<32x98x128xi32, #tpu.memory_space<hbm>> -> memref<1x98x128xi32, #tpu.memory_space<hbm>>
      %dma_start3A_23 = tpu.memref_squeeze %dma_start3A_22 : memref<1x98x128xi32, #tpu.memory_space<hbm>> -> memref<98x128xi32, #tpu.memory_space<hbm>>
      %dma_start3A_24 = arith.constant 0 : i32
      %dma_start3A_25 = arith.constant 0 : i32
      %dma_start3A_26 = tpu.memref_slice %arg2[%add3A, %dma_start3A_24, %dma_start3A_25] : memref<32x98x128xi32, #tpu.memory_space<hbm>> -> memref<1x98x128xi32, #tpu.memory_space<hbm>>
      %dma_start3A_27 = tpu.memref_squeeze %dma_start3A_26 : memref<1x98x128xi32, #tpu.memory_space<hbm>> -> memref<98x128xi32, #tpu.memory_space<hbm>>
      tpu.enqueue_dma source(%dma_start3A_27 : memref<98x128xi32, #tpu.memory_space<hbm>>) target(%arg7 : memref<98x128xi32, #tpu.memory_space<vmem>>) target_semaphore(%run_scoped3A : memref<!tpu.dma_semaphore, #tpu.memory_space<semaphore_mem>>)
      %dma_wait3A = arith.constant 0 : i32
      %dma_wait3A_28 = arith.constant 0 : i32
      %dma_wait3A_29 = tpu.memref_slice %arg2[%add3A, %dma_wait3A, %dma_wait3A_28] : memref<32x98x128xi32, #tpu.memory_space<hbm>> -> memref<1x98x128xi32, #tpu.memory_space<hbm>>
      %dma_wait3A_30 = tpu.memref_squeeze %dma_wait3A_29 : memref<1x98x128xi32, #tpu.memory_space<hbm>> -> memref<98x128xi32, #tpu.memory_space<hbm>>
      %dma_wait3A_31 = arith.constant 0 : i32
      %dma_wait3A_32 = arith.constant 0 : i32
      %dma_wait3A_33 = tpu.memref_slice %arg2[%add3A, %dma_wait3A_31, %dma_wait3A_32] : memref<32x98x128xi32, #tpu.memory_space<hbm>> -> memref<1x98x128xi32, #tpu.memory_space<hbm>>
      %dma_wait3A_34 = tpu.memref_squeeze %dma_wait3A_33 : memref<1x98x128xi32, #tpu.memory_space<hbm>> -> memref<98x128xi32, #tpu.memory_space<hbm>>
      tpu.wait_dma2 semaphore(%run_scoped3A : memref<!tpu.dma_semaphore, #tpu.memory_space<semaphore_mem>>) src(%dma_wait3A_34 : memref<98x128xi32, #tpu.memory_space<hbm>>) dst(%arg7 : memref<98x128xi32, #tpu.memory_space<vmem>>)
      tpu.yield
    }) : () -> ()
    "tpu.region"() ({
      %run_scoped3A = tpu.sem_alloc : memref<!tpu.dma_semaphore, #tpu.memory_space<semaphore_mem>>
      %dma_start3A = arith.constant 0 : i32
      %dma_start3A_21 = arith.constant 0 : i32
      %dma_start3A_22 = tpu.memref_slice %arg3[%add3A, %dma_start3A, %dma_start3A_21] : memref<32x98x128xi32, #tpu.memory_space<hbm>> -> memref<1x98x128xi32, #tpu.memory_space<hbm>>
      %dma_start3A_23 = tpu.memref_squeeze %dma_start3A_22 : memref<1x98x128xi32, #tpu.memory_space<hbm>> -> memref<98x128xi32, #tpu.memory_space<hbm>>
      %dma_start3A_24 = arith.constant 0 : i32
      %dma_start3A_25 = arith.constant 0 : i32
      %dma_start3A_26 = tpu.memref_slice %arg3[%add3A, %dma_start3A_24, %dma_start3A_25] : memref<32x98x128xi32, #tpu.memory_space<hbm>> -> memref<1x98x128xi32, #tpu.memory_space<hbm>>
      %dma_start3A_27 = tpu.memref_squeeze %dma_start3A_26 : memref<1x98x128xi32, #tpu.memory_space<hbm>> -> memref<98x128xi32, #tpu.memory_space<hbm>>
      tpu.enqueue_dma source(%dma_start3A_27 : memref<98x128xi32, #tpu.memory_space<hbm>>) target(%arg8 : memref<98x128xi32, #tpu.memory_space<vmem>>) target_semaphore(%run_scoped3A : memref<!tpu.dma_semaphore, #tpu.memory_space<semaphore_mem>>)
      %dma_wait3A = arith.constant 0 : i32
      %dma_wait3A_28 = arith.constant 0 : i32
      %dma_wait3A_29 = tpu.memref_slice %arg3[%add3A, %dma_wait3A, %dma_wait3A_28] : memref<32x98x128xi32, #tpu.memory_space<hbm>> -> memref<1x98x128xi32, #tpu.memory_space<hbm>>
      %dma_wait3A_30 = tpu.memref_squeeze %dma_wait3A_29 : memref<1x98x128xi32, #tpu.memory_space<hbm>> -> memref<98x128xi32, #tpu.memory_space<hbm>>
      %dma_wait3A_31 = arith.constant 0 : i32
      %dma_wait3A_32 = arith.constant 0 : i32
      %dma_wait3A_33 = tpu.memref_slice %arg3[%add3A, %dma_wait3A_31, %dma_wait3A_32] : memref<32x98x128xi32, #tpu.memory_space<hbm>> -> memref<1x98x128xi32, #tpu.memory_space<hbm>>
      %dma_wait3A_34 = tpu.memref_squeeze %dma_wait3A_33 : memref<1x98x128xi32, #tpu.memory_space<hbm>> -> memref<98x128xi32, #tpu.memory_space<hbm>>
      tpu.wait_dma2 semaphore(%run_scoped3A : memref<!tpu.dma_semaphore, #tpu.memory_space<semaphore_mem>>) src(%dma_wait3A_34 : memref<98x128xi32, #tpu.memory_space<hbm>>) dst(%arg8 : memref<98x128xi32, #tpu.memory_space<vmem>>)
      tpu.yield
    }) : () -> ()
    %mul3A_1 = arith.constant 640 : i32
    %mul3A_2 = arith.muli %arg1, %mul3A_1 : i32
    "tpu.region"() ({
      %run_scoped3A = tpu.sem_alloc : memref<!tpu.dma_semaphore, #tpu.memory_space<semaphore_mem>>
      %dma_start3A = arith.constant 0 : i32
      %dma_start3A_21 = tpu.memref_slice %arg10[%mul3A_2, %dma_start3A] : memref<10240x128xf32, #tpu.memory_space<vmem_shared>> -> memref<640x128xf32, #tpu.memory_space<vmem_shared>>
      %dma_start3A_22 = arith.constant 0 : i32
      %dma_start3A_23 = tpu.memref_slice %arg5[%mul3A_2, %dma_start3A_22] : memref<10240x128xf32, #tpu.memory_space<hbm>> -> memref<640x128xf32, #tpu.memory_space<hbm>>
      tpu.enqueue_dma source(%dma_start3A_23 : memref<640x128xf32, #tpu.memory_space<hbm>>) target(%dma_start3A_21 : memref<640x128xf32, #tpu.memory_space<vmem_shared>>) target_semaphore(%run_scoped3A : memref<!tpu.dma_semaphore, #tpu.memory_space<semaphore_mem>>)
      %dma_wait3A = arith.constant 0 : i32
      %dma_wait3A_24 = tpu.memref_slice %arg10[%mul3A_2, %dma_wait3A] : memref<10240x128xf32, #tpu.memory_space<vmem_shared>> -> memref<640x128xf32, #tpu.memory_space<vmem_shared>>
      %dma_wait3A_25 = arith.constant 0 : i32
      %dma_wait3A_26 = tpu.memref_slice %arg5[%mul3A_2, %dma_wait3A_25] : memref<10240x128xf32, #tpu.memory_space<hbm>> -> memref<640x128xf32, #tpu.memory_space<hbm>>
      tpu.wait_dma2 semaphore(%run_scoped3A : memref<!tpu.dma_semaphore, #tpu.memory_space<semaphore_mem>>) src(%dma_wait3A_26 : memref<640x128xf32, #tpu.memory_space<hbm>>) dst(%dma_wait3A_24 : memref<640x128xf32, #tpu.memory_space<vmem_shared>>)
      tpu.yield
    }) : () -> ()
    %barrier3A = arith.constant 0 : index
    tpu.barrier barrier_id(%barrier3A)
    %eq3A = arith.constant 0 : i32
    %eq3A_3 = arith.cmpi eq, %arg0, %eq3A : i32
    %select_n3A = arith.constant 59 : i32
    %select_n3A_4 = arith.constant 98 : i32
    %select_n3A_5 = arith.select %eq3A_3, %select_n3A_4, %select_n3A : i32
    %while3A = arith.constant 0 : i32
    %while3A_6 = arith.constant 0 : i32
    %while3A_7 = arith.subi %select_n3A_5, %while3A_6 : i32
    %while3A_8 = arith.addi %while3A_6, %while3A_7 : i32
    %while3A_9 = arith.constant 1 : i32
    %while3A_10 = arith.divsi %while3A_7, %while3A_9 : i32
    %while3A_11 = arith.muli %while3A_10, %while3A_9 : i32
    %while3A_12 = arith.addi %while3A_6, %while3A_11 : i32
    %while3A_13 = arith.constant 1 : i32
    scf.for %while3A_21 = %while3A_6 to %while3A_12 step %while3A_13  : i32 {
      %dma_start3A = arith.constant 0 : i32
      %dma_start3A_22 = tpu.memref_slice %arg7[%while3A_21, %dma_start3A] : memref<98x128xi32, #tpu.memory_space<vmem>> -> memref<1x128xi32, #tpu.memory_space<vmem>>
      %dma_start3A_23 = tpu.memref_squeeze %dma_start3A_22 : memref<1x128xi32, #tpu.memory_space<vmem>> -> memref<128xi32, #tpu.memory_space<vmem>>
      %dma_start3A_24 = arith.constant 0 : i32
      %dma_start3A_25 = arith.constant 0 : i32
      %dma_start3A_26 = tpu.memref_slice %arg4[%dma_start3A_24, %dma_start3A_25] : memref<10240x128xf32, #tpu.memory_space<hbm>> -> memref<10240x128xf32, #tpu.memory_space<hbm>>
      tpu.enqueue_indirect_dma source(%dma_start3A_26 : memref<10240x128xf32, #tpu.memory_space<hbm>>) target(%arg9 : memref<128x128xf32, #tpu.memory_space<vmem>>) offsets(%dma_start3A_23 : memref<128xi32, #tpu.memory_space<vmem>>) semaphore(%arg11 : memref<!tpu.dma_semaphore, #tpu.memory_space<semaphore_mem>>)
      %dma_wait3A = arith.constant 0 : i32
      %dma_wait3A_27 = tpu.memref_slice %arg7[%while3A_21, %dma_wait3A] : memref<98x128xi32, #tpu.memory_space<vmem>> -> memref<1x128xi32, #tpu.memory_space<vmem>>
      %dma_wait3A_28 = tpu.memref_squeeze %dma_wait3A_27 : memref<1x128xi32, #tpu.memory_space<vmem>> -> memref<128xi32, #tpu.memory_space<vmem>>
      %dma_wait3A_29 = arith.constant 0 : i32
      %dma_wait3A_30 = arith.constant 0 : i32
      %dma_wait3A_31 = tpu.memref_slice %arg4[%dma_wait3A_29, %dma_wait3A_30] : memref<10240x128xf32, #tpu.memory_space<hbm>> -> memref<10240x128xf32, #tpu.memory_space<hbm>>
      tpu.wait_indirect_dma semaphore(%arg11 : memref<!tpu.dma_semaphore, #tpu.memory_space<semaphore_mem>>) src(%dma_wait3A_31 : memref<10240x128xf32, #tpu.memory_space<hbm>>) dst(%arg9 : memref<128x128xf32, #tpu.memory_space<vmem>>)
      "tpu.region"() ({
        %run_scoped3A = tpu.sem_alloc : memref<!tpu.dma_semaphore, #tpu.memory_space<semaphore_mem>>
        %dma_start3A_32 = arith.constant 0 : i32
        %dma_start3A_33 = tpu.memref_slice %arg8[%while3A_21, %dma_start3A_32] : memref<98x128xi32, #tpu.memory_space<vmem>> -> memref<1x128xi32, #tpu.memory_space<vmem>>
        %dma_start3A_34 = tpu.memref_squeeze %dma_start3A_33 : memref<1x128xi32, #tpu.memory_space<vmem>> -> memref<128xi32, #tpu.memory_space<vmem>>
        %dma_start3A_35 = arith.constant 0 : i32
        %dma_start3A_36 = arith.constant 0 : i32
        %dma_start3A_37 = tpu.memref_slice %arg10[%dma_start3A_35, %dma_start3A_36] : memref<10240x128xf32, #tpu.memory_space<vmem_shared>> -> memref<10240x128xf32, #tpu.memory_space<vmem_shared>>
        tpu.enqueue_indirect_dma source(%arg9 : memref<128x128xf32, #tpu.memory_space<vmem>>) target(%dma_start3A_37 : memref<10240x128xf32, #tpu.memory_space<vmem_shared>>) offsets(%dma_start3A_34 : memref<128xi32, #tpu.memory_space<vmem>>) semaphore(%run_scoped3A : memref<!tpu.dma_semaphore, #tpu.memory_space<semaphore_mem>>) {add = true}
        %dma_wait3A_38 = arith.constant 0 : i32
        %dma_wait3A_39 = tpu.memref_slice %arg8[%while3A_21, %dma_wait3A_38] : memref<98x128xi32, #tpu.memory_space<vmem>> -> memref<1x128xi32, #tpu.memory_space<vmem>>
        %dma_wait3A_40 = tpu.memref_squeeze %dma_wait3A_39 : memref<1x128xi32, #tpu.memory_space<vmem>> -> memref<128xi32, #tpu.memory_space<vmem>>
        %dma_wait3A_41 = arith.constant 0 : i32
        %dma_wait3A_42 = arith.constant 0 : i32
        %dma_wait3A_43 = tpu.memref_slice %arg10[%dma_wait3A_41, %dma_wait3A_42] : memref<10240x128xf32, #tpu.memory_space<vmem_shared>> -> memref<10240x128xf32, #tpu.memory_space<vmem_shared>>
        tpu.wait_indirect_dma semaphore(%run_scoped3A : memref<!tpu.dma_semaphore, #tpu.memory_space<semaphore_mem>>) src(%arg9 : memref<128x128xf32, #tpu.memory_space<vmem>>) dst(%dma_wait3A_43 : memref<10240x128xf32, #tpu.memory_space<vmem_shared>>)
        tpu.yield
      }) : () -> ()
    }
    %while3A_14 = arith.constant 1 : i32
    scf.for %while3A_21 = %while3A_12 to %while3A_8 step %while3A_14  : i32 {
      %dma_start3A = arith.constant 0 : i32
      %dma_start3A_22 = tpu.memref_slice %arg7[%while3A_21, %dma_start3A] : memref<98x128xi32, #tpu.memory_space<vmem>> -> memref<1x128xi32, #tpu.memory_space<vmem>>
      %dma_start3A_23 = tpu.memref_squeeze %dma_start3A_22 : memref<1x128xi32, #tpu.memory_space<vmem>> -> memref<128xi32, #tpu.memory_space<vmem>>
      %dma_start3A_24 = arith.constant 0 : i32
      %dma_start3A_25 = arith.constant 0 : i32
      %dma_start3A_26 = tpu.memref_slice %arg4[%dma_start3A_24, %dma_start3A_25] : memref<10240x128xf32, #tpu.memory_space<hbm>> -> memref<10240x128xf32, #tpu.memory_space<hbm>>
      tpu.enqueue_indirect_dma source(%dma_start3A_26 : memref<10240x128xf32, #tpu.memory_space<hbm>>) target(%arg9 : memref<128x128xf32, #tpu.memory_space<vmem>>) offsets(%dma_start3A_23 : memref<128xi32, #tpu.memory_space<vmem>>) semaphore(%arg11 : memref<!tpu.dma_semaphore, #tpu.memory_space<semaphore_mem>>)
      %dma_wait3A = arith.constant 0 : i32
      %dma_wait3A_27 = tpu.memref_slice %arg7[%while3A_21, %dma_wait3A] : memref<98x128xi32, #tpu.memory_space<vmem>> -> memref<1x128xi32, #tpu.memory_space<vmem>>
      %dma_wait3A_28 = tpu.memref_squeeze %dma_wait3A_27 : memref<1x128xi32, #tpu.memory_space<vmem>> -> memref<128xi32, #tpu.memory_space<vmem>>
      %dma_wait3A_29 = arith.constant 0 : i32
      %dma_wait3A_30 = arith.constant 0 : i32
      %dma_wait3A_31 = tpu.memref_slice %arg4[%dma_wait3A_29, %dma_wait3A_30] : memref<10240x128xf32, #tpu.memory_space<hbm>> -> memref<10240x128xf32, #tpu.memory_space<hbm>>
      tpu.wait_indirect_dma semaphore(%arg11 : memref<!tpu.dma_semaphore, #tpu.memory_space<semaphore_mem>>) src(%dma_wait3A_31 : memref<10240x128xf32, #tpu.memory_space<hbm>>) dst(%arg9 : memref<128x128xf32, #tpu.memory_space<vmem>>)
      "tpu.region"() ({
        %run_scoped3A = tpu.sem_alloc : memref<!tpu.dma_semaphore, #tpu.memory_space<semaphore_mem>>
        %dma_start3A_32 = arith.constant 0 : i32
        %dma_start3A_33 = tpu.memref_slice %arg8[%while3A_21, %dma_start3A_32] : memref<98x128xi32, #tpu.memory_space<vmem>> -> memref<1x128xi32, #tpu.memory_space<vmem>>
        %dma_start3A_34 = tpu.memref_squeeze %dma_start3A_33 : memref<1x128xi32, #tpu.memory_space<vmem>> -> memref<128xi32, #tpu.memory_space<vmem>>
        %dma_start3A_35 = arith.constant 0 : i32
        %dma_start3A_36 = arith.constant 0 : i32
        %dma_start3A_37 = tpu.memref_slice %arg10[%dma_start3A_35, %dma_start3A_36] : memref<10240x128xf32, #tpu.memory_space<vmem_shared>> -> memref<10240x128xf32, #tpu.memory_space<vmem_shared>>
        tpu.enqueue_indirect_dma source(%arg9 : memref<128x128xf32, #tpu.memory_space<vmem>>) target(%dma_start3A_37 : memref<10240x128xf32, #tpu.memory_space<vmem_shared>>) offsets(%dma_start3A_34 : memref<128xi32, #tpu.memory_space<vmem>>) semaphore(%run_scoped3A : memref<!tpu.dma_semaphore, #tpu.memory_space<semaphore_mem>>) {add = true}
        %dma_wait3A_38 = arith.constant 0 : i32
        %dma_wait3A_39 = tpu.memref_slice %arg8[%while3A_21, %dma_wait3A_38] : memref<98x128xi32, #tpu.memory_space<vmem>> -> memref<1x128xi32, #tpu.memory_space<vmem>>
        %dma_wait3A_40 = tpu.memref_squeeze %dma_wait3A_39 : memref<1x128xi32, #tpu.memory_space<vmem>> -> memref<128xi32, #tpu.memory_space<vmem>>
        %dma_wait3A_41 = arith.constant 0 : i32
        %dma_wait3A_42 = arith.constant 0 : i32
        %dma_wait3A_43 = tpu.memref_slice %arg10[%dma_wait3A_41, %dma_wait3A_42] : memref<10240x128xf32, #tpu.memory_space<vmem_shared>> -> memref<10240x128xf32, #tpu.memory_space<vmem_shared>>
        tpu.wait_indirect_dma semaphore(%run_scoped3A : memref<!tpu.dma_semaphore, #tpu.memory_space<semaphore_mem>>) src(%arg9 : memref<128x128xf32, #tpu.memory_space<vmem>>) dst(%dma_wait3A_43 : memref<10240x128xf32, #tpu.memory_space<vmem_shared>>)
        tpu.yield
      }) : () -> ()
    }
    %barrier3A_15 = arith.constant 0 : index
    tpu.barrier barrier_id(%barrier3A_15)
    %mul3A_16 = arith.constant 10240 : i32
    %mul3A_17 = arith.muli %arg0, %mul3A_16 : i32
    %mul3A_18 = arith.constant 640 : i32
    %mul3A_19 = arith.muli %arg1, %mul3A_18 : i32
    %add3A_20 = arith.addi %mul3A_17, %mul3A_19 : i32
    "tpu.region"() ({
      %run_scoped3A = tpu.sem_alloc : memref<!tpu.dma_semaphore, #tpu.memory_space<semaphore_mem>>
      %dma_start3A = arith.constant 0 : i32
      %dma_start3A_21 = tpu.memref_slice %arg6[%add3A_20, %dma_start3A] : memref<20480x128xf32, #tpu.memory_space<hbm>> -> memref<640x128xf32, #tpu.memory_space<hbm>>
      %dma_start3A_22 = arith.constant 0 : i32
      %dma_start3A_23 = tpu.memref_slice %arg10[%mul3A_2, %dma_start3A_22] : memref<10240x128xf32, #tpu.memory_space<vmem_shared>> -> memref<640x128xf32, #tpu.memory_space<vmem_shared>>
      tpu.enqueue_dma source(%dma_start3A_23 : memref<640x128xf32, #tpu.memory_space<vmem_shared>>) target(%dma_start3A_21 : memref<640x128xf32, #tpu.memory_space<hbm>>) target_semaphore(%run_scoped3A : memref<!tpu.dma_semaphore, #tpu.memory_space<semaphore_mem>>)
      %dma_wait3A = arith.constant 0 : i32
      %dma_wait3A_24 = tpu.memref_slice %arg6[%add3A_20, %dma_wait3A] : memref<20480x128xf32, #tpu.memory_space<hbm>> -> memref<640x128xf32, #tpu.memory_space<hbm>>
      %dma_wait3A_25 = arith.constant 0 : i32
      %dma_wait3A_26 = tpu.memref_slice %arg10[%mul3A_2, %dma_wait3A_25] : memref<10240x128xf32, #tpu.memory_space<vmem_shared>> -> memref<640x128xf32, #tpu.memory_space<vmem_shared>>
      tpu.wait_dma2 semaphore(%run_scoped3A : memref<!tpu.dma_semaphore, #tpu.memory_space<semaphore_mem>>) src(%dma_wait3A_26 : memref<640x128xf32, #tpu.memory_space<vmem_shared>>) dst(%dma_wait3A_24 : memref<640x128xf32, #tpu.memory_space<hbm>>)
      tpu.yield
    }) : () -> ()
    return
  }
}

module attributes {stable_mosaic.version = 14 : i64} {
  func.func @_tc_d_body(%arg0: i32, %arg1: memref<1280x1xf32, #tpu.memory_space<vmem>>, %arg2: memref<2x1280x128xf32, #tpu.memory_space<vmem>>, %arg3: memref<1280x128xf32, #tpu.memory_space<vmem>>, %arg4: memref<1x128xf32, #tpu.memory_space<vmem>>, %arg5: memref<128x128xf32, #tpu.memory_space<vmem>>, %arg6: memref<1280x128xf32, #tpu.memory_space<vmem>>) attributes {dimension_semantics = [#tpu.dimension_semantics<arbitrary>], iteration_bounds = array<i64: 8>, scalar_prefetch = 0 : i64, scratch_operands = 0 : i64, tpu.core_type = #tpu.core_type<tc>, window_params = [{transform_indices = @transform_0, window_bounds = array<i64: 1280, 1>}, {transform_indices = @transform_1, window_bounds = array<i64: 2, 1280, 128>}, {transform_indices = @transform_2, window_bounds = array<i64: 1280, 128>}, {pipeline_mode = #tpu.pipeline_mode<synchronous>, transform_indices = @transform_3, window_bounds = array<i64: 1, 128>}, {pipeline_mode = #tpu.pipeline_mode<synchronous>, transform_indices = @transform_4, window_bounds = array<i64: 128, 128>}, {transform_indices = @transform_5, window_bounds = array<i64: 1280, 128>}]} {
    %get3A = arith.constant 0 : index
    %get3A_0 = arith.constant 0 : index
    %get3A_1 = vector.load %arg1[%get3A, %get3A_0] : memref<1280x1xf32, #tpu.memory_space<vmem>>, vector<1280x1xf32>
    %get3A_2 = arith.constant 0 : index
    %get3A_3 = arith.constant 0 : index
    %get3A_4 = arith.constant 0 : index
    %get3A_5 = vector.load %arg2[%get3A_2, %get3A_3, %get3A_4] : memref<2x1280x128xf32, #tpu.memory_space<vmem>>, vector<1x1280x128xf32>
    %get3A_6 = vector.shape_cast %get3A_5 : vector<1x1280x128xf32> to vector<1280x128xf32>
    %get3A_7 = arith.constant 1 : index
    %get3A_8 = arith.constant 0 : index
    %get3A_9 = arith.constant 0 : index
    %get3A_10 = vector.load %arg2[%get3A_7, %get3A_8, %get3A_9] : memref<2x1280x128xf32, #tpu.memory_space<vmem>>, vector<1x1280x128xf32>
    %get3A_11 = vector.shape_cast %get3A_10 : vector<1x1280x128xf32> to vector<1280x128xf32>
    %add3A = arith.addf %get3A_6, %get3A_11 : vector<1280x128xf32>
    %get3A_12 = arith.constant 0 : index
    %get3A_13 = arith.constant 0 : index
    %get3A_14 = vector.load %arg3[%get3A_12, %get3A_13] : memref<1280x128xf32, #tpu.memory_space<vmem>>, vector<1280x128xf32>
    %add3A_15 = arith.addf %add3A, %get3A_14 : vector<1280x128xf32>
    %mul3A = vector.broadcast %get3A_1 : vector<1280x1xf32> to vector<1280x128xf32>
    %mul3A_16 = arith.mulf %mul3A, %add3A_15 : vector<1280x128xf32>
    %get3A_17 = arith.constant 0 : index
    %get3A_18 = arith.constant 0 : index
    %get3A_19 = vector.load %arg4[%get3A_17, %get3A_18] : memref<1x128xf32, #tpu.memory_space<vmem>>, vector<1x128xf32>
    %add3A_20 = vector.broadcast %get3A_19 : vector<1x128xf32> to vector<1280x128xf32>
    %add3A_21 = arith.addf %mul3A_16, %add3A_20 : vector<1280x128xf32>
    %max3A = arith.constant 0.000000e+00 : f32
    %max3A_22 = vector.broadcast %max3A : f32 to vector<1280x128xf32>
    %max3A_23 = arith.maximumf %add3A_21, %max3A_22 : vector<1280x128xf32>
    %get3A_24 = arith.constant 0 : index
    %get3A_25 = arith.constant 0 : index
    %get3A_26 = vector.load %arg5[%get3A_24, %get3A_25] : memref<128x128xf32, #tpu.memory_space<vmem>>, vector<128x128xf32>
    %dot_general3A = arith.constant dense<0.000000e+00> : vector<1280x128xf32>
    %dot_general3A_27 = tpu.matmul %max3A_23, %get3A_26, %dot_general3A {dimension_numbers = #tpu.dot_dimension_numbers<[1], [0], [0], [1], [0, 0, 1, 1], [], []>, transpose_lhs_hint = false} : vector<1280x128xf32>, vector<128x128xf32>, vector<1280x128xf32> -> vector<1280x128xf32>
    %mul3A_28 = vector.broadcast %get3A_1 : vector<1280x1xf32> to vector<1280x128xf32>
    %mul3A_29 = arith.mulf %mul3A_28, %dot_general3A_27 : vector<1280x128xf32>
    %swap3A = arith.constant 0 : index
    %swap3A_30 = arith.constant 0 : index
    %swap3A_31 = vector.load %arg6[%swap3A, %swap3A_30] : memref<1280x128xf32, #tpu.memory_space<vmem>>, vector<1280x128xf32>
    tpu.vector_store %arg6[%swap3A, %swap3A_30], %mul3A_29 {strides = array<i32>} : memref<1280x128xf32, #tpu.memory_space<vmem>>, vector<1280x128xf32>,
    return
  }
  func.func @transform_0(%arg0: i32) -> (i32, i32) {
    %c0_i32 = arith.constant 0 : i32
    %c0_i32_0 = arith.constant 0 : i32
    return %arg0, %c0_i32 : i32, i32
  }
  func.func @transform_1(%arg0: i32) -> (i32, i32, i32) {
    %c0_i32 = arith.constant 0 : i32
    %c0_i32_0 = arith.constant 0 : i32
    %c0_i32_1 = arith.constant 0 : i32
    return %c0_i32, %arg0, %c0_i32_0 : i32, i32, i32
  }
  func.func @transform_2(%arg0: i32) -> (i32, i32) {
    %c0_i32 = arith.constant 0 : i32
    %c0_i32_0 = arith.constant 0 : i32
    return %arg0, %c0_i32 : i32, i32
  }
  func.func @transform_3(%arg0: i32) -> (i32, i32) {
    %c0_i32 = arith.constant 0 : i32
    %c0_i32_0 = arith.constant 0 : i32
    %c0_i32_1 = arith.constant 0 : i32
    return %c0_i32, %c0_i32_0 : i32, i32
  }
  func.func @transform_4(%arg0: i32) -> (i32, i32) {
    %c0_i32 = arith.constant 0 : i32
    %c0_i32_0 = arith.constant 0 : i32
    %c0_i32_1 = arith.constant 0 : i32
    return %c0_i32, %c0_i32_0 : i32, i32
  }
  func.func @transform_5(%arg0: i32) -> (i32, i32) {
    %c0_i32 = arith.constant 0 : i32
    %c0_i32_0 = arith.constant 0 : i32
    return %arg0, %c0_i32 : i32, i32
  }
}

module attributes {stable_mosaic.version = 14 : i64} {
  func.func @_tc_b_body(%arg0: i32, %arg1: memref<2x1280x128xf32, #tpu.memory_space<vmem>>, %arg2: memref<1280x128xf32, #tpu.memory_space<vmem>>, %arg3: memref<128x128xf32, #tpu.memory_space<vmem>>, %arg4: memref<1280x128xf32, #tpu.memory_space<vmem>>, %arg5: memref<1280x1xf32, #tpu.memory_space<vmem>>) attributes {dimension_semantics = [#tpu.dimension_semantics<arbitrary>], iteration_bounds = array<i64: 8>, scalar_prefetch = 0 : i64, scratch_operands = 0 : i64, tpu.core_type = #tpu.core_type<tc>, window_params = [{transform_indices = @transform_0, window_bounds = array<i64: 2, 1280, 128>}, {transform_indices = @transform_1, window_bounds = array<i64: 1280, 128>}, {pipeline_mode = #tpu.pipeline_mode<synchronous>, transform_indices = @transform_2, window_bounds = array<i64: 128, 128>}, {transform_indices = @transform_3, window_bounds = array<i64: 1280, 128>}, {transform_indices = @transform_4, window_bounds = array<i64: 1280, 1>}]} {
    %get3A = arith.constant 0 : index
    %get3A_0 = arith.constant 0 : index
    %get3A_1 = arith.constant 0 : index
    %get3A_2 = vector.load %arg1[%get3A, %get3A_0, %get3A_1] : memref<2x1280x128xf32, #tpu.memory_space<vmem>>, vector<1x1280x1xf32>
    %get3A_3 = vector.shape_cast %get3A_2 : vector<1x1280x1xf32> to vector<1280x1xf32>
    %get3A_4 = arith.constant 1 : index
    %get3A_5 = arith.constant 0 : index
    %get3A_6 = arith.constant 0 : index
    %get3A_7 = vector.load %arg1[%get3A_4, %get3A_5, %get3A_6] : memref<2x1280x128xf32, #tpu.memory_space<vmem>>, vector<1x1280x1xf32>
    %get3A_8 = vector.shape_cast %get3A_7 : vector<1x1280x1xf32> to vector<1280x1xf32>
    %add3A = arith.addf %get3A_3, %get3A_8 : vector<1280x1xf32>
    %add3A_9 = arith.constant 1.000000e+00 : f32
    %add3A_10 = vector.broadcast %add3A_9 : f32 to vector<1280x1xf32>
    %add3A_11 = arith.addf %add3A, %add3A_10 : vector<1280x1xf32>
    %rsqrt3A = math.rsqrt %add3A_11 : vector<1280x1xf32>
    %swap3A = arith.constant 0 : index
    %swap3A_12 = arith.constant 0 : index
    %swap3A_13 = vector.load %arg5[%swap3A, %swap3A_12] : memref<1280x1xf32, #tpu.memory_space<vmem>>, vector<1280x1xf32>
    tpu.vector_store %arg5[%swap3A, %swap3A_12], %rsqrt3A {strides = array<i32>} : memref<1280x1xf32, #tpu.memory_space<vmem>>, vector<1280x1xf32>,
    %get3A_14 = arith.constant 0 : index
    %get3A_15 = arith.constant 0 : index
    %get3A_16 = vector.load %arg2[%get3A_14, %get3A_15] : memref<1280x128xf32, #tpu.memory_space<vmem>>, vector<1280x128xf32>
    %get3A_17 = arith.constant 0 : index
    %get3A_18 = arith.constant 0 : index
    %get3A_19 = vector.load %arg3[%get3A_17, %get3A_18] : memref<128x128xf32, #tpu.memory_space<vmem>>, vector<128x128xf32>
    %dot_general3A = arith.constant dense<0.000000e+00> : vector<1280x128xf32>
    %dot_general3A_20 = tpu.matmul %get3A_16, %get3A_19, %dot_general3A {dimension_numbers = #tpu.dot_dimension_numbers<[1], [0], [0], [1], [0, 0, 1, 1], [], []>, transpose_lhs_hint = false} : vector<1280x128xf32>, vector<128x128xf32>, vector<1280x128xf32> -> vector<1280x128xf32>
    %mul3A = vector.broadcast %rsqrt3A : vector<1280x1xf32> to vector<1280x128xf32>
    %mul3A_21 = arith.mulf %mul3A, %dot_general3A_20 : vector<1280x128xf32>
    %swap3A_22 = arith.constant 0 : index
    %swap3A_23 = arith.constant 0 : index
    %swap3A_24 = vector.load %arg4[%swap3A_22, %swap3A_23] : memref<1280x128xf32, #tpu.memory_space<vmem>>, vector<1280x128xf32>
    tpu.vector_store %arg4[%swap3A_22, %swap3A_23], %mul3A_21 {strides = array<i32>} : memref<1280x128xf32, #tpu.memory_space<vmem>>, vector<1280x128xf32>,
    return
  }
  func.func @transform_0(%arg0: i32) -> (i32, i32, i32) {
    %c0_i32 = arith.constant 0 : i32
    %c0_i32_0 = arith.constant 0 : i32
    %c0_i32_1 = arith.constant 0 : i32
    return %c0_i32, %arg0, %c0_i32_0 : i32, i32, i32
  }
  func.func @transform_1(%arg0: i32) -> (i32, i32) {
    %c0_i32 = arith.constant 0 : i32
    %c0_i32_0 = arith.constant 0 : i32
    return %arg0, %c0_i32 : i32, i32
  }
  func.func @transform_2(%arg0: i32) -> (i32, i32) {
    %c0_i32 = arith.constant 0 : i32
    %c0_i32_0 = arith.constant 0 : i32
    %c0_i32_1 = arith.constant 0 : i32
    return %c0_i32, %c0_i32_0 : i32, i32
  }
  func.func @transform_3(%arg0: i32) -> (i32, i32) {
    %c0_i32 = arith.constant 0 : i32
    %c0_i32_0 = arith.constant 0 : i32
    return %arg0, %c0_i32 : i32, i32
  }
  func.func @transform_4(%arg0: i32) -> (i32, i32) {
    %c0_i32 = arith.constant 0 : i32
    %c0_i32_0 = arith.constant 0 : i32
    return %arg0, %c0_i32 : i32, i32
  }
}

module attributes {stable_mosaic.version = 14 : i64} {
  func.func @_tc_e_body(%arg0: i32, %arg1: memref<1280x1xf32, #tpu.memory_space<vmem>>, %arg2: memref<2x1280x128xf32, #tpu.memory_space<vmem>>, %arg3: memref<1280x128xf32, #tpu.memory_space<vmem>>, %arg4: memref<1x128xf32, #tpu.memory_space<vmem>>, %arg5: memref<128x128xf32, #tpu.memory_space<vmem>>, %arg6: memref<1x128xf32, #tpu.memory_space<vmem>>, %arg7: memref<128x40xf32, #tpu.memory_space<vmem>>, %arg8: memref<40x10xf32, #tpu.memory_space<vmem>>, %arg9: memref<1280x128xf32, #tpu.memory_space<vmem>>, %arg10: memref<1280x40xf32, #tpu.memory_space<vmem>>, %arg11: memref<1x10xf32, #tpu.memory_space<vmem>>, %arg12: memref<1x40xf32, #tpu.memory_space<vmem>>) attributes {dimension_semantics = [#tpu.dimension_semantics<arbitrary>], iteration_bounds = array<i64: 8>, scalar_prefetch = 0 : i64, scratch_operands = 1 : i64, tpu.core_type = #tpu.core_type<tc>, window_params = [{transform_indices = @transform_0, window_bounds = array<i64: 1280, 1>}, {transform_indices = @transform_1, window_bounds = array<i64: 2, 1280, 128>}, {transform_indices = @transform_2, window_bounds = array<i64: 1280, 128>}, {pipeline_mode = #tpu.pipeline_mode<synchronous>, transform_indices = @transform_3, window_bounds = array<i64: 1, 128>}, {pipeline_mode = #tpu.pipeline_mode<synchronous>, transform_indices = @transform_4, window_bounds = array<i64: 128, 128>}, {pipeline_mode = #tpu.pipeline_mode<synchronous>, transform_indices = @transform_5, window_bounds = array<i64: 1, 128>}, {pipeline_mode = #tpu.pipeline_mode<synchronous>, transform_indices = @transform_6, window_bounds = array<i64: 128, 40>}, {pipeline_mode = #tpu.pipeline_mode<synchronous>, transform_indices = @transform_7, window_bounds = array<i64: 40, 10>}, {transform_indices = @transform_8, window_bounds = array<i64: 1280, 128>}, {transform_indices = @transform_9, window_bounds = array<i64: 1280, 40>}, {pipeline_mode = #tpu.pipeline_mode<synchronous>, transform_indices = @transform_10, window_bounds = array<i64: 1, 10>}]} {
    %get3A = arith.constant 0 : index
    %get3A_0 = arith.constant 0 : index
    %get3A_1 = vector.load %arg1[%get3A, %get3A_0] : memref<1280x1xf32, #tpu.memory_space<vmem>>, vector<1280x1xf32>
    %get3A_2 = arith.constant 0 : index
    %get3A_3 = arith.constant 0 : index
    %get3A_4 = arith.constant 0 : index
    %get3A_5 = vector.load %arg2[%get3A_2, %get3A_3, %get3A_4] : memref<2x1280x128xf32, #tpu.memory_space<vmem>>, vector<1x1280x128xf32>
    %get3A_6 = vector.shape_cast %get3A_5 : vector<1x1280x128xf32> to vector<1280x128xf32>
    %get3A_7 = arith.constant 1 : index
    %get3A_8 = arith.constant 0 : index
    %get3A_9 = arith.constant 0 : index
    %get3A_10 = vector.load %arg2[%get3A_7, %get3A_8, %get3A_9] : memref<2x1280x128xf32, #tpu.memory_space<vmem>>, vector<1x1280x128xf32>
    %get3A_11 = vector.shape_cast %get3A_10 : vector<1x1280x128xf32> to vector<1280x128xf32>
    %add3A = arith.addf %get3A_6, %get3A_11 : vector<1280x128xf32>
    %get3A_12 = arith.constant 0 : index
    %get3A_13 = arith.constant 0 : index
    %get3A_14 = vector.load %arg3[%get3A_12, %get3A_13] : memref<1280x128xf32, #tpu.memory_space<vmem>>, vector<1280x128xf32>
    %add3A_15 = arith.addf %add3A, %get3A_14 : vector<1280x128xf32>
    %mul3A = vector.broadcast %get3A_1 : vector<1280x1xf32> to vector<1280x128xf32>
    %mul3A_16 = arith.mulf %mul3A, %add3A_15 : vector<1280x128xf32>
    %get3A_17 = arith.constant 0 : index
    %get3A_18 = arith.constant 0 : index
    %get3A_19 = vector.load %arg4[%get3A_17, %get3A_18] : memref<1x128xf32, #tpu.memory_space<vmem>>, vector<1x128xf32>
    %add3A_20 = vector.broadcast %get3A_19 : vector<1x128xf32> to vector<1280x128xf32>
    %add3A_21 = arith.addf %mul3A_16, %add3A_20 : vector<1280x128xf32>
    %max3A = arith.constant 0.000000e+00 : f32
    %max3A_22 = vector.broadcast %max3A : f32 to vector<1280x128xf32>
    %max3A_23 = arith.maximumf %add3A_21, %max3A_22 : vector<1280x128xf32>
    %get3A_24 = arith.constant 0 : index
    %get3A_25 = arith.constant 0 : index
    %get3A_26 = vector.load %arg5[%get3A_24, %get3A_25] : memref<128x128xf32, #tpu.memory_space<vmem>>, vector<128x128xf32>
    %dot_general3A = arith.constant dense<0.000000e+00> : vector<1280x128xf32>
    %dot_general3A_27 = tpu.matmul %max3A_23, %get3A_26, %dot_general3A {dimension_numbers = #tpu.dot_dimension_numbers<[1], [0], [0], [1], [0, 0, 1, 1], [], []>, transpose_lhs_hint = false} : vector<1280x128xf32>, vector<128x128xf32>, vector<1280x128xf32> -> vector<1280x128xf32>
    %get3A_28 = arith.constant 0 : index
    %get3A_29 = arith.constant 0 : index
    %get3A_30 = vector.load %arg6[%get3A_28, %get3A_29] : memref<1x128xf32, #tpu.memory_space<vmem>>, vector<1x128xf32>
    %add3A_31 = vector.broadcast %get3A_30 : vector<1x128xf32> to vector<1280x128xf32>
    %add3A_32 = arith.addf %dot_general3A_27, %add3A_31 : vector<1280x128xf32>
    %swap3A = arith.constant 0 : index
    %swap3A_33 = arith.constant 0 : index
    %swap3A_34 = vector.load %arg9[%swap3A, %swap3A_33] : memref<1280x128xf32, #tpu.memory_space<vmem>>, vector<1280x128xf32>
    tpu.vector_store %arg9[%swap3A, %swap3A_33], %add3A_32 {strides = array<i32>} : memref<1280x128xf32, #tpu.memory_space<vmem>>, vector<1280x128xf32>,
    %get3A_35 = arith.constant 0 : index
    %get3A_36 = arith.constant 0 : index
    %get3A_37 = vector.load %arg7[%get3A_35, %get3A_36] : memref<128x40xf32, #tpu.memory_space<vmem>>, vector<128x40xf32>
    %dot_general3A_38 = arith.constant dense<0.000000e+00> : vector<1280x40xf32>
    %dot_general3A_39 = tpu.matmul %add3A_32, %get3A_37, %dot_general3A_38 {dimension_numbers = #tpu.dot_dimension_numbers<[1], [0], [0], [1], [0, 0, 1, 1], [], []>, transpose_lhs_hint = false} : vector<1280x128xf32>, vector<128x40xf32>, vector<1280x40xf32> -> vector<1280x40xf32>
    %mul3A_40 = arith.mulf %add3A_32, %add3A_32 : vector<1280x128xf32>
    %reduce_sum3A = arith.constant dense<0.000000e+00> : vector<1280xf32>
    %reduce_sum3A_41 = vector.multi_reduction <add>, %mul3A_40, %reduce_sum3A [1] : vector<1280x128xf32> to vector<1280xf32>
    %broadcast_in_dim3A = vector.shape_cast %reduce_sum3A_41 : vector<1280xf32> to vector<1280x1xf32>
    %sqrt3A = math.sqrt %broadcast_in_dim3A : vector<1280x1xf32>
    %add3A_42 = arith.constant 9.99999993E-9 : f32
    %add3A_43 = vector.broadcast %add3A_42 : f32 to vector<1280x1xf32>
    %add3A_44 = arith.addf %sqrt3A, %add3A_43 : vector<1280x1xf32>
    %div3A = vector.broadcast %add3A_44 : vector<1280x1xf32> to vector<1280x40xf32>
    %div3A_45 = arith.divf %dot_general3A_39, %div3A : vector<1280x40xf32>
    %swap3A_46 = arith.constant 0 : index
    %swap3A_47 = arith.constant 0 : index
    %swap3A_48 = vector.load %arg10[%swap3A_46, %swap3A_47] : memref<1280x40xf32, #tpu.memory_space<vmem>>, vector<1280x40xf32>
    tpu.vector_store %arg10[%swap3A_46, %swap3A_47], %div3A_45 {strides = array<i32>} : memref<1280x40xf32, #tpu.memory_space<vmem>>, vector<1280x40xf32>,
    %mul3A_49 = arith.constant 1280 : i32
    %mul3A_50 = arith.muli %arg0, %mul3A_49 : i32
    %iota3A = tpu.iota {dimensions = array<i32: 0>} : vector<1280x1xi32>
    %add3A_51 = vector.broadcast %mul3A_50 : i32 to vector<1280x1xi32>
    %add3A_52 = arith.addi %add3A_51, %iota3A : vector<1280x1xi32>
    %lt3A = arith.constant 10000 : i32
    %lt3A_53 = vector.broadcast %lt3A : i32 to vector<1280x1xi32>
    %lt3A_54 = arith.cmpi slt, %add3A_52, %lt3A_53 : vector<1280x1xi32>
    %jit3A = arith.constant 0.000000e+00 : f32
    %broadcast_in_dim3A_55 = vector.shape_cast %lt3A_54 : vector<1280x1xi1> to vector<1280x1xi1>
    %broadcast_in_dim3A_56 = vector.broadcast %broadcast_in_dim3A_55 : vector<1280x1xi1> to vector<1280x40xi1>
    %broadcast_in_dim3A_57 = vector.broadcast %jit3A : f32 to vector<1280x40xf32>
    %select_n3A = arith.select %broadcast_in_dim3A_56, %div3A_45, %broadcast_in_dim3A_57 : vector<1280x40xi1>, vector<1280x40xf32>
    %reduce_sum3A_58 = arith.constant dense<0.000000e+00> : vector<40xf32>
    %reduce_sum3A_59 = vector.multi_reduction <add>, %select_n3A, %reduce_sum3A_58 [0] : vector<1280x40xf32> to vector<40xf32>
    %broadcast_in_dim3A_60 = vector.shape_cast %reduce_sum3A_59 : vector<40xf32> to vector<1x40xf32>
    %eq3A = arith.constant 0 : i32
    %eq3A_61 = arith.cmpi eq, %arg0, %eq3A : i32
    %convert_element_type3A = arith.extui %eq3A_61 : i1 to i32
    %cond3A = arith.constant 0 : i32
    %cond3A_62 = arith.cmpi ne, %convert_element_type3A, %cond3A : i32
    scf.if %cond3A_62 {
      %broadcast_in_dim3A_75 = arith.constant 0.000000e+00 : f32
      %broadcast_in_dim3A_76 = vector.broadcast %broadcast_in_dim3A_75 : f32 to vector<1x40xf32>
      %swap3A_77 = arith.constant 0 : index
      %swap3A_78 = arith.constant 0 : index
      %swap3A_79 = vector.load %arg12[%swap3A_77, %swap3A_78] : memref<1x40xf32, #tpu.memory_space<vmem>>, vector<1x40xf32>
      tpu.vector_store %arg12[%swap3A_77, %swap3A_78], %broadcast_in_dim3A_76 {strides = array<i32>} : memref<1x40xf32, #tpu.memory_space<vmem>>, vector<1x40xf32>,
      %broadcast_in_dim3A_80 = arith.constant 0.000000e+00 : f32
      %broadcast_in_dim3A_81 = vector.broadcast %broadcast_in_dim3A_80 : f32 to vector<1x10xf32>
      %swap3A_82 = arith.constant 0 : index
      %swap3A_83 = arith.constant 0 : index
      %swap3A_84 = vector.load %arg11[%swap3A_82, %swap3A_83] : memref<1x10xf32, #tpu.memory_space<vmem>>, vector<1x10xf32>
      tpu.vector_store %arg11[%swap3A_82, %swap3A_83], %broadcast_in_dim3A_81 {strides = array<i32>} : memref<1x10xf32, #tpu.memory_space<vmem>>, vector<1x10xf32>,
    } else {
    }
    %get3A_63 = arith.constant 0 : index
    %get3A_64 = arith.constant 0 : index
    %get3A_65 = vector.load %arg12[%get3A_63, %get3A_64] : memref<1x40xf32, #tpu.memory_space<vmem>>, vector<1x40xf32>
    %add3A_66 = arith.addf %get3A_65, %broadcast_in_dim3A_60 : vector<1x40xf32>
    %swap3A_67 = arith.constant 0 : index
    %swap3A_68 = arith.constant 0 : index
    %swap3A_69 = vector.load %arg12[%swap3A_67, %swap3A_68] : memref<1x40xf32, #tpu.memory_space<vmem>>, vector<1x40xf32>
    tpu.vector_store %arg12[%swap3A_67, %swap3A_68], %add3A_66 {strides = array<i32>} : memref<1x40xf32, #tpu.memory_space<vmem>>, vector<1x40xf32>,
    %eq3A_70 = arith.constant 7 : i32
    %eq3A_71 = arith.cmpi eq, %arg0, %eq3A_70 : i32
    %convert_element_type3A_72 = arith.extui %eq3A_71 : i1 to i32
    %cond3A_73 = arith.constant 0 : i32
    %cond3A_74 = arith.cmpi ne, %convert_element_type3A_72, %cond3A_73 : i32
    scf.if %cond3A_74 {
      %get3A_75 = arith.constant 0 : index
      %get3A_76 = arith.constant 0 : index
      %get3A_77 = vector.load %arg12[%get3A_75, %get3A_76] : memref<1x40xf32, #tpu.memory_space<vmem>>, vector<1x40xf32>
      %mul3A_78 = arith.constant 9.99999974E-5 : f32
      %mul3A_79 = vector.broadcast %mul3A_78 : f32 to vector<1x40xf32>
      %mul3A_80 = arith.mulf %get3A_77, %mul3A_79 : vector<1x40xf32>
      %get3A_81 = arith.constant 0 : index
      %get3A_82 = arith.constant 0 : index
      %get3A_83 = vector.load %arg8[%get3A_81, %get3A_82] : memref<40x10xf32, #tpu.memory_space<vmem>>, vector<40x10xf32>
      %dot_general3A_84 = arith.constant dense<0.000000e+00> : vector<1x10xf32>
      %dot_general3A_85 = tpu.matmul %mul3A_80, %get3A_83, %dot_general3A_84 {dimension_numbers = #tpu.dot_dimension_numbers<[1], [0], [0], [1], [0, 0, 1, 1], [], []>, transpose_lhs_hint = false} : vector<1x40xf32>, vector<40x10xf32>, vector<1x10xf32> -> vector<1x10xf32>
      %swap3A_86 = arith.constant 0 : index
      %swap3A_87 = arith.constant 0 : index
      %swap3A_88 = vector.load %arg11[%swap3A_86, %swap3A_87] : memref<1x10xf32, #tpu.memory_space<vmem>>, vector<1x10xf32>
      tpu.vector_store %arg11[%swap3A_86, %swap3A_87], %dot_general3A_85 {strides = array<i32>} : memref<1x10xf32, #tpu.memory_space<vmem>>, vector<1x10xf32>,
    } else {
    }
    return
  }
  func.func @transform_0(%arg0: i32) -> (i32, i32) {
    %c0_i32 = arith.constant 0 : i32
    %c0_i32_0 = arith.constant 0 : i32
    return %arg0, %c0_i32 : i32, i32
  }
  func.func @transform_1(%arg0: i32) -> (i32, i32, i32) {
    %c0_i32 = arith.constant 0 : i32
    %c0_i32_0 = arith.constant 0 : i32
    %c0_i32_1 = arith.constant 0 : i32
    return %c0_i32, %arg0, %c0_i32_0 : i32, i32, i32
  }
  func.func @transform_2(%arg0: i32) -> (i32, i32) {
    %c0_i32 = arith.constant 0 : i32
    %c0_i32_0 = arith.constant 0 : i32
    return %arg0, %c0_i32 : i32, i32
  }
  func.func @transform_3(%arg0: i32) -> (i32, i32) {
    %c0_i32 = arith.constant 0 : i32
    %c0_i32_0 = arith.constant 0 : i32
    %c0_i32_1 = arith.constant 0 : i32
    return %c0_i32, %c0_i32_0 : i32, i32
  }
  func.func @transform_4(%arg0: i32) -> (i32, i32) {
    %c0_i32 = arith.constant 0 : i32
    %c0_i32_0 = arith.constant 0 : i32
    %c0_i32_1 = arith.constant 0 : i32
    return %c0_i32, %c0_i32_0 : i32, i32
  }
  func.func @transform_5(%arg0: i32) -> (i32, i32) {
    %c0_i32 = arith.constant 0 : i32
    %c0_i32_0 = arith.constant 0 : i32
    %c0_i32_1 = arith.constant 0 : i32
    return %c0_i32, %c0_i32_0 : i32, i32
  }
  func.func @transform_6(%arg0: i32) -> (i32, i32) {
    %c0_i32 = arith.constant 0 : i32
    %c0_i32_0 = arith.constant 0 : i32
    %c0_i32_1 = arith.constant 0 : i32
    return %c0_i32, %c0_i32_0 : i32, i32
  }
  func.func @transform_7(%arg0: i32) -> (i32, i32) {
    %c0_i32 = arith.constant 0 : i32
    %c0_i32_0 = arith.constant 0 : i32
    %c0_i32_1 = arith.constant 0 : i32
    return %c0_i32, %c0_i32_0 : i32, i32
  }
  func.func @transform_8(%arg0: i32) -> (i32, i32) {
    %c0_i32 = arith.constant 0 : i32
    %c0_i32_0 = arith.constant 0 : i32
    return %arg0, %c0_i32 : i32, i32
  }
  func.func @transform_9(%arg0: i32) -> (i32, i32) {
    %c0_i32 = arith.constant 0 : i32
    %c0_i32_0 = arith.constant 0 : i32
    return %arg0, %c0_i32 : i32, i32
  }
  func.func @transform_10(%arg0: i32) -> (i32, i32) {
    %c0_i32 = arith.constant 0 : i32
    %c0_i32_0 = arith.constant 0 : i32
    %c0_i32_1 = arith.constant 0 : i32
    return %c0_i32, %c0_i32_0 : i32, i32
  }
}

</mosaic_0001>

<sc_bundles>
// kernel: kernel.11.cloned.1.call-start
scs
__scs_entry_jumppad:
0x0: {  	(pc) =	sbr.rel $0x88, $3  }
0x1: {  	(tag) =	ssettag $0x0;
	lr =	simm.s32 $0x1  }
0x2: {  	[smem:$0x3F97] =	sst lr;
	_ =	strace $0xD0000000  }
0x3: {  	_ = 	snop  }
0x4: {  	_ = 	snop  }
0x5: {  	_ = 	snop  }
0x6: {  	_ = 	snop  }
0x7: {  	_ = 	snop  }
__scs_overlays_trampoline_lowered:
0x8: {  	[smem:$0x3FA6] =	sst s0  }
0x9: {  	[smem:$0x3FA7] =	sst s1  }
0xa: {  	[smem:$0x3FA8] =	sst s2  }
0xb: {  	[smem:$0x3FA9] =	sst s3  }
0xc: {  	[smem:$0x3FAA] =	sst s4  }
0xd: {  	[smem:$0x3FAB] =	sst s5  }
0xe: {  	[smem:$0x3FAC] =	sst s6  }
0xf: {  	[smem:$0x3FAD] =	sst s7  }
0x10: {  	[smem:$0x3FAE] =	sst s8  }
0x11: {  	[smem:$0x3FAF] =	sst s9;
	s0 =	simm.s32 @!p0 $0x0  }
0x12: {  	s1 =	sld [smem:$0x3F95];
	s0 =	simm.s32 @p0 $0x1  }
0x13: {  	[smem:$0x3FB0] =	sst s0;
	s0 =	simm.s32 @!p1 $0x0  }
0x14: {  	s2 =	sld [smem:$0x3F94];
	s0 =	simm.s32 @p1 $0x1  }
0x15: {  	[smem:$0x3FB1] =	sst s0;
	s0 =	simm.s32 @!p2 $0x0  }
0x16: {  	s3 =	sld [smem:$0x3FDB];
	s0 =	simm.s32 @p2 $0x1  }
0x17: {  	s4 =	simm.s32 $0x1BF5;
	[smem:$0x3FB3] =	sst s0  }
0x18: {  	s0 =	sld [smem:$0x3F96];
	_ =	swait.ge [sflag:s4], $0x0  }
0x19: {  	s7 =	sld [smem:$0x3F97]  }
0x1a: {  	s8 =	sadd.s32 $0xFFFFE003, lr  }
0x1b: {  	s9 =	sadd.s32 $0xFFFFFEF7, lr;
	s5 =	simm.s32 $0xFFFFFFFF;
	p2 =	slt.u32 s8, $0xFFFFF086  }
0x1c: {  	p1 =	slt.u32 s9, $0xF7A;
	s5 =	simm.s32 @!p2 $0x0  }
0x1d: {  	s5 =	simm.s32 @p1 $0x1;
	p0 =	seq.s32 s7, s2  }
0x1e: {  	s7 =	smul.u32 @!p0 $0xF7A, s2;
	p2 =	seq.s32 @!p0 s5, $0x0  }
0x1f: {  	s9 =	smul.u32 $0xF7A, s1;
	s8 =	simm.s32 @!p0 $0x1BF5;
	p2 =	por !p2, p0  }
0x20: {  	[sflag:s8] =	ssyncset.s32 @!p0 $0xFFFFF086;
	s6 =	sadd.s32 @!p0 s3, s7;
	s7 =	simm.s32 @!p0 $0x108  }
0x21: {  	s3 =	sadd.s32 s3, s9;
	s6 =	sadd.s32 @!p0 $0x88, s6;
	s7 =	simm.s32 @p2 $0x1082  }
0x22: {  	[simem:s7], [sflag:s8] =	dma.local @!p0 [hbm:s6], $0xF7A  }
0x23: {  	s9 =	sor.u32 $0xD0000000, s2;
	s6 =	simm.s32 $0x108;
	_ =	swait.ge @!p0 [sflag:s8], $0x0  }
0x24: {  	s3 =	sadd.s32 $0x88, s3;
	s6 =	simm.s32 @!p1 $0x1082;
	[sflag:s4] =	ssyncset.s32 $0xFFFFF086  }
0x25: {  	[simem:s6], [sflag:s4] =	dma.local [hbm:s3], $0xF7A  }
0x26: {  	[smem:$0x3F97] =	sst s1;
	(tag) =	ssettag s2;
	_ =	strace s9  }
0x27: {  	s1 =	sld [smem:$0x3FA7]  }
0x28: {  	s2 =	sld [smem:$0x3FA8]  }
0x29: {  	s4 =	sld [smem:$0x3FAA]  }
0x2a: {  	p0 =	seq.s32 s5, $0x0;
	s5 =	sld [smem:$0x3FAB]  }
0x2b: {  	s6 =	sld [smem:$0x3FAC]  }
0x2c: {  	s7 =	sld [smem:$0x3FAD]  }
0x2d: {  	s3 =	simm.s32 $0x108;
	s8 =	sld [smem:$0x3FAE]  }
0x2e: {  	s3 =	simm.s32 @!p0 $0x1082;
	s9 =	sld [smem:$0x3FAF]  }
0x2f: {  	lr =	sadd.s32 s0, s3;
	s0 =	sld [smem:$0x3FA6]  }
0x30: {  	s3 =	sld [smem:$0x3FA9]  }
0x31: {  	[smem:$0x3FB2] =	sst s10  }
0x32: {  	s10 =	sld [smem:$0x3FB0];
	_ =	sdelay $0x3  }
0x33: {  	p0 =	seq.s32 s10, $0x1;
	s10 =	sld [smem:$0x3FB2];
	_ =	sdelay $0x3  }
0x34: {  	[smem:$0x3FB2] =	sst s10  }
0x35: {  	s10 =	sld [smem:$0x3FB1];
	_ =	sdelay $0x3  }
0x36: {  	p1 =	seq.s32 s10, $0x1;
	s10 =	sld [smem:$0x3FB2];
	_ =	sdelay $0x3  }
0x37: {  	[smem:$0x3FB2] =	sst s10  }
0x38: {  	s10 =	sld [smem:$0x3FB3]  }
0x39: {  	_ = 	snop;
	(pc) =	sbr.ind lr, $3  }
0x3a: {  	_ = 	snop  }
0x3b: {  	_ = 	snop  }
0x3c: {  	p2 =	seq.s32 s10, $0x1;
	s10 =	sld [smem:$0x3FB2]  }
0x3d: {  	_ =	shalt  }
0x3e: {  	_ =	shalt  }
0x3f: {  	_ =	shalt  }
0x40: {  	_ =	shalt  }
0x41: {  	_ =	shalt  }
0x42: {  	_ =	shalt  }
0x43: {  	_ =	shalt  }
0x44: {  	_ =	shalt  }
0x45: {  	_ =	shalt  }
0x46: {  	_ =	shalt  }
0x47: {  	_ =	shalt  }
0x48: {  	_ =	shalt  }
0x49: {  	_ =	shalt  }
0x4a: {  	_ =	shalt  }
0x4b: {  	_ =	shalt  }
0x4c: {  	_ =	shalt  }
0x4d: {  	_ =	shalt  }
0x4e: {  	_ =	shalt  }
0x4f: {  	_ =	shalt  }
0x50: {  	_ =	shalt  }
0x51: {  	_ =	shalt  }
0x52: {  	_ =	shalt  }
0x53: {  	_ =	shalt  }
0x54: {  	_ =	shalt  }
0x55: {  	_ =	shalt  }
0x56: {  	_ =	shalt  }
0x57: {  	_ =	shalt  }
0x58: {  	_ =	shalt  }
0x59: {  	_ =	shalt  }
0x5a: {  	_ =	shalt  }
0x5b: {  	_ =	shalt  }
0x5c: {  	_ =	shalt  }
0x5d: {  	_ =	shalt  }
0x5e: {  	_ =	shalt  }
0x5f: {  	_ =	shalt  }
0x60: {  	_ =	shalt  }
0x61: {  	_ =	shalt  }
0x62: {  	_ =	shalt  }
0x63: {  	_ =	shalt  }
0x64: {  	_ =	shalt  }
0x65: {  	_ =	shalt  }
0x66: {  	_ =	shalt  }
0x67: {  	_ =	shalt  }
0x68: {  	_ =	shalt  }
0x69: {  	_ =	shalt  }
0x6a: {  	_ =	shalt  }
0x6b: {  	_ =	shalt  }
0x6c: {  	_ =	shalt  }
0x6d: {  	_ =	shalt  }
0x6e: {  	_ =	shalt  }
0x6f: {  	_ =	shalt  }
0x70: {  	_ =	shalt  }
0x71: {  	_ =	shalt  }
0x72: {  	_ =	shalt  }
0x73: {  	_ =	shalt  }
0x74: {  	_ =	shalt  }
0x75: {  	_ =	shalt  }
0x76: {  	_ =	shalt  }
0x77: {  	_ =	shalt  }
0x78: {  	_ =	shalt  }
0x79: {  	_ =	shalt  }
0x7a: {  	_ =	shalt  }
0x7b: {  	_ =	shalt  }
0x7c: {  	_ =	shalt  }
0x7d: {  	_ =	shalt  }
0x7e: {  	_ =	shalt  }
0x7f: {  	_ =	shalt  }
0x80: {  	_ =	shalt  }
0x81: {  	_ =	shalt  }
0x82: {  	_ =	shalt  }
0x83: {  	_ =	shalt  }
0x84: {  	_ =	shalt  }
0x85: {  	_ =	shalt  }
0x86: {  	_ =	shalt  }
0x87: {  	_ =	shalt  }
.Lfunc_end0:
.L_simem_size_0:
called_computation.1_lowered:
.L_overlay_start_0:
0x88: {  	s2 =	sld [smem:$0x3FD9]  }
0x89: {  	s3 =	sld [smem:$0x3FFE];
	_ =	sdelay $0x1  }
0x8a: {  	s1 =	srdreg.scid  }
0x8b: {  	s0 =	sand.u32 $0x1, s1  }
0x8c: {  	s14 =	sshll.u32 s0, $0xA;
	s2 =	sadd.s32 s3, s2  }
0x8d: {  	s2 =	sadd.s32 s2, s14  }
0x8e: {  	[smem:$0x3FBE] =	sst s2  }
0x8f: {  	_ = 	snop  }
0x90: {  	s2 =	sld [smem:$0x3FD0];
	_ =	sdelay $0x2  }
0x91: {  	s15 =	simm.s32 $0xA;
	s4 =	simm.s32 $0x10  }
0x92: {  	[smem:s4], [sflag:s15] =	dma.local [hbm:s2], $0x1  }
0x93: {  	_ =	swait.eq [sflag:s15], $0x1  }
0x94: {  	[sflag:s15] =	ssyncset.done $0x0  }
0x95: {  	[sflag:s15] =	ssyncadd.s32 $0xFFFFFFFF  }
0x96: {  	s16 =	sld [smem:$0x11];
	(tm) =	ssettm $0x1  }
0x97: {  	s17 =	sld [smem:$0x3FFB];
	_ =	sdelay $0x3  }
0x98: {  	_ =	strace s17  }
0x99: {  	s3 =	sld [smem:$0x3FFC];
	_ =	sdelay $0x3  }
0x9a: {  	_ =	strace s3  }
0x9b: {  	s3 =	sld [smem:$0x3FFD];
	_ =	sdelay $0x3  }
0x9c: {  	_ =	strace s3  }
0x9d: {  	_ =	strace $0x8FFFFFFF  }
0x9e: {  	s18 =	sld [smem:$0x3FDB];
	_ =	sdelay $0x1  }
0x9f: {  	s19 =	simm.s32 $_scs_section_size  }
0xa0: {  	s5 =	simm.s32 $_size__tile_overlayer_lowered;
	s6 =	simm.s32 $_tile_overlayer_lowered  }
0xa1: {  	s22 =	simm.s32 $0x1BFF;
	s21 =	sshll.u32 s6, $0x1;
	s3 =	sadd.s32 s19, s18  }
0xa2: {  	s7 =	simm.s32 $0x0;
	s20 =	sshll.u32 s5, $0x1;
	s5 =	sadd.s32 s21, s3  }
0xa3: {  	[timem:s7], [sflag:s22] =	dma.local [hbm:s5], s20  }
0xa4: {  	_ =	swait.ge [sflag:s22], s20  }
0xa5: {  	s4 =	ssub.s32 $0x0, s20;
	[sflag:s22] =	ssyncset.done $0x0  }
0xa6: {  	[sflag:s22] =	ssyncadd.s32 s4;
	_ =	sdelay $0x1  }
0xa7: {  	s23 =	simm.s32 $0x1B8B  }
0xa8: {  	_ =	swait.ge [sflag:s23], $0x1  }
0xa9: {  	[sflag:s23] =	ssyncset.done $0x0  }
0xaa: {  	s25 =	simm.s32 $0x1B8E;
	s24 =	sld [smem:$0x3FFE];
	[sflag:s23] =	ssyncadd.s32 $0xFFFFFFFF  }
0xab: {  	s26 =	simm.s32 $execute0_lowered;
	[smem:$0x3FD2] =	sst s25  }
0xac: {  	s5 =	sshll.u32 s26, $0x1;
	_ =	strace $0x80000049;
	[dreg:$0x1] =	wrdreg $0xFFFFFFFF  }
0xad: {  	s28 =	simm.s32 $_size_execute0_lowered;
	s3 =	sadd.s32 s3, s5;
	[dreg:$0x0] =	wrdreg $0x0  }
0xae: {  	s5 =	sshll.u32 s28, $0x1;
	[dreg:$0x2] =	wrdreg s3  }
0xaf: {  	[dreg:$0x3] =	wrdreg s5  }
0xb0: {  	[dreg:$0x4] =	wrdreg $0xC0  }
0xb1: {  	_ =	task [dreg:s7], $0x5FFFF  }
0xb2: {  	[dreg:$0x1] =	wrdreg $0xFFFFFFFF  }
0xb3: {  	[dreg:$0x0] =	wrdreg $0x60  }
0xb4: {  	[dreg:$0x2] =	wrdreg s16  }
0xb5: {  	[dreg:$0x3] =	wrdreg s24  }
0xb6: {  	[dreg:$0x4] =	wrdreg $0xA8000  }
0xb7: {  	[dreg:$0x5] =	wrdreg $0x9  }
0xb8: {  	_ =	task.clear_ibuf [dreg:s7], $0x6FFFF;
	_ =	strace $0x90000049  }
0xb9: {  	s29 =	simm.s32 $0x9;
	_ =	strace $0x8000004B  }
0xba: {  	_ =	swait.ge [sflag:s29], $0x1  }
0xbb: {  	[sflag:s29] =	ssyncadd.s32 $0xFFFFFFFF  }
0xbc: {  	_ =	strace $0x9000004B  }
0xbd: {  	_ =	sfence  }
0xbe: {  	s30 =	sld [smem:$0x0];
	_ =	sdelay $0x2  }
0xbf: {  	s31 =	sshll.u32 s1, $0xD;
	s1 =	sshrl.u32 s1, $0x2  }
0xc0: {  	s3 =	sand.u32 $0x4000, s31;
	s1 =	sadd.s32 s1, s30  }
0xc1: {  	s0 =	sor.u32 s3, s0;
	s1 =	sshll.u32 s1, $0x11  }
0xc2: {  	s0 =	sor.u32 s1, s0  }
0xc3: {  	s0 =	sadd.s32 $0x8F2B, s0  }
0xc4: {  	[sflag:s0] =	ssyncadd.remote.s32 $0x1  }
0xc5: {  	_ =	sfence.sel $0xFFFF  }
0xc6: {  	[dreg:$0x0] =	wrdreg $0xFFFFFFFF;
	(pc) =	sbr.abs _section_cstart, $3  }
0xc7: {  	[dreg:$0x1] =	wrdreg $0xFFFFFFFF  }
0xc8: {  	_ =	task.clear_ibuf [dreg:s7], $0x2FFFF;
	_ =	strace $0x9FFFFFFF  }
0xc9: {  	(tm) =	ssettm $0x7FFFFFFF  }
tec
execute0_lowered:
.L_overlay_start_1:
0x0: {  	(tag) =	ssettag $0x1  }
0x1: {  	s5 =	rddreg [dreg:$0x0]  }
0x2: {  	s1 =	srdreg.scid;
	s6 =	rddreg [dreg:$0x1]  }
0x3: {  	s0 =	stileid.u32;
	s2 =	rddreg [dreg:$0x2];
	s3 =	simm.s32 $0x0  }
0x4: {  	s15 =	simm.s32 $0x6800;
	s16 =	simm.s32 $0x1;
	s17 =	simm.s32 $0x0  }
0x5: {  	s7 =	sand.u32 $0x1, s1;
	s1 =	rddreg [dreg:$0x3];
	s9 =	smul.u32 $0x2800, s0  }
0x6: {  	s28 =	sshll.u32 s0, $0x1;
	[smem:$0x7FF] =	sst s3;
	s14 =	smul.u32 $0x50000, s0  }
0x7: {  	s31 =	sshll.u32 s0, $0x6;
	s4 =	sor.u32 s7, s28;
	_ =	strace $0x8000004A  }
0x8: {  	s10 =	smul.u32 $0x28000, s7;
	s12 =	ssub.s32 $0x2, s7;
	p0 =	seq.s32 s7, $0x0  }
0x9: {  	s7 =	simm.s32 $0x62;
	s8 =	smul.u32 $0x680, s4;
	s4 =	sadd.s32 $0x2A800, s6  }
0xa: {  	s13 =	sshrl.u32 s12, $0x1;
	s29 =	sshrl.u32 s14, $0x2;
	s7 =	simm.s32 @!p0 $0x3B  }
0xb: {  	s14 =	simm.s32 $0x80;
	s10 =	sadd.s32 s9, s10;
	s9 =	sadd.s32 s9, s6  }
0xc: {  	s12 =	ssub.s32 s12, s13;
	s30 =	sadd.s32 s29, s2;
	s11 =	sadd.s32 s8, s6  }
0xd: {  	s10 =	sadd.s32 s10, s6;
	s5 =	sadd.s32 s5, s8;
	s8 =	sadd.s32 $0x2800, s9  }
0xe: {  	s13 =	sshrl.u32 s30, $0x3;
	s6 =	sadd.s32 $0x7B000, s11;
	s9 =	sadd.s32 $0x88000, s10  }
0xf: {  	s10 =	smax.u32 s12, $0x1;
	s11 =	simm.s32 $0x2;
	s12 =	sor.u32 $0x1C02, s31  }
.LBB2_1:
0x10: {  	[tilespmem:s3], [sflag:$0x2] =	stream.linear.gather [hbm4b:s5+s3], $0x3100, $0x38;
	[tilespmem:$0x1E800] =	vst v63  }
0x11: {  	_ =	swait.ge [sflag:s11], $0x3100  }
0x12: {  	[sflag:s11] =	ssyncset.done $0x0  }
0x13: {  	s18 =	simm.s32 $0x3400;
	[sflag:s11] =	ssyncadd.s32 $0xFFFFCF00  }
0x14: {  	[tilespmem:s18], [sflag:$0x2] =	stream.linear.gather [hbm4b:s6+s3], $0x3100, $0x38;
	[tilespmem:$0x1E800] =	vst v63  }
0x15: {  	_ =	swait.ge [sflag:s11], $0x3100  }
0x16: {  	[sflag:s11] =	ssyncset.done $0x0  }
0x17: {  	[sflag:s11] =	ssyncadd.s32 $0xFFFFCF00  }
0x18: {  	[spmem:s13], [sflag:s12] =	dma.local [hbm:s8], $0x2800  }
0x19: {  	_ =	swait.ge [sflag:s11], $0x2800  }
0x1a: {  	[sflag:s11] =	ssyncset.done $0x0  }
0x1b: {  	[sflag:s11] =	ssyncadd.s32 $0xFFFFD800  }
0x1c: {  	[bflag:$0x0] =	sbarrier.arrive $0xFFFF  }
0x1d: {  	[tilespmem:s15], [sflag:$0x1] =	stream.indirect.gather [hbm4b:s4+s14], $0x80, s3, s14, $0xb8;
	[tilespmem:$0x1E800] =	vst v63  }
0x1e: {  	p0 =	sne.s32 s7, $0x1;
	_ =	swait.ge [sflag:s16], $0x4000  }
.Ltmp0:
0x1f: {  	[sflag:s16] =	ssyncset.done $0x0;
	(pc) =	sbr.rel @!p0 .LBB2_3-.Ltmp0, $4  }
0x20: {  	[sflag:s16] =	ssyncadd.s32 $0xFFFFC000  }
0x21: {  	[spmem:s2] =	stream.indirect.scatter.add.f32 [tilespmem:s15], [sflag:$0x2], $0x80, s18, s14, $0xb8;
	[tilespmem:$0x1E800] =	vst v63  }
0x22: {  	_ =	swait.ge [sflag:s11], $0x4000  }
0x23: {  	s19 =	sadd.s32 $0xFFFFFFFF, s7;
	s20 =	simm.s32 $0x0;
	[sflag:s11] =	ssyncset.done $0x0  }
.LBB2_2:
0x24: {  	[sflag:s11] =	ssyncadd.s32 $0xFFFFC000;
	s20 =	sadd.s32 $0x80, s20;
	s18 =	sadd.s32 $0x80, s18  }
0x25: {  	[tilespmem:s15], [sflag:$0x1] =	stream.indirect.gather [hbm4b:s4+s14], $0x80, s20, s14, $0xb8;
	[tilespmem:$0x1E800] =	vst v63  }
0x26: {  	p0 =	sne.s32 s19, $0x1;
	s19 =	sadd.s32 $0xFFFFFFFF, s19;
	_ =	swait.ge [sflag:s16], $0x4000  }
.Ltmp1:
0x27: {  	[sflag:s16] =	ssyncset.done $0x0;
	(pc) =	sbr.rel @p0 .LBB2_2-.Ltmp1, $4  }
0x28: {  	[sflag:s16] =	ssyncadd.s32 $0xFFFFC000  }
0x29: {  	[spmem:s2] =	stream.indirect.scatter.add.f32 [tilespmem:s15], [sflag:$0x2], $0x80, s18, s14, $0xb8;
	[tilespmem:$0x1E800] =	vst v63  }
0x2a: {  	_ =	swait.ge [sflag:s11], $0x4000  }
0x2b: {  	[sflag:s11] =	ssyncset.done $0x0  }
.LBB2_3:
0x2c: {  	s17 =	sadd.s32 $0x1, s17  }
0x2d: {  	[sflag:s11] =	ssyncadd.s32 $0xFFFFC000;
	p0 =	sne.s32 s17, s10  }
.Ltmp2:
0x2e: {  	[bflag:$0x0] =	sbarrier.arrive $0xFFFF;
	(pc) =	sbr.rel @p0 .LBB2_1-.Ltmp2, $4  }
0x2f: {  	[hbm:s9], [sflag:s12] =	dma.local [spmem:s13], $0x2800  }
0x30: {  	_ =	swait.ge [sflag:s11], $0x2800  }
0x31: {  	[sflag:s11] =	ssyncset.done $0x0  }
0x32: {  	[sflag:s11] =	ssyncadd.s32 $0xFFFFD800  }
0x33: {  	_ =	sfence.sel $0x180000  }
0x34: {  	[bflag:$0x0] =	sbarrier.arrive $0xFFFF  }
0x35: {  	p0 =	sne.s32 s0, $0x0;
	_ =	strace $0x9000004A  }
0x36: {  	s0 =	sadd.s32 @!p0 $0x100000, s1;
	[bflag:$0x2] =	sbarrier.arrive $0xFFFF  }
0x37: {  	[sflag:s0] =	ssyncadd.tile.s32 @!p0 $0x1;
	_ =	shalt  }
.Lfunc_end2:
_tile_overlayer_lowered:
.L_overlay_start_2:
0x38: {  	(tag) =	ssettag $0x2  }
0x39: {  	s0 =	rddreg [dreg:$0x0];
	s2 =	stileid.u32  }
0x3a: {  	s1 =	rddreg [dreg:$0x1];
	p0 =	sne.s32 s2, $0x0  }
0x3b: {  	s3 =	rddreg [dreg:$0x2];
	[bflag:$0x3] =	sbarrier.arrive $0xFFFF;
	s2 =	simm.s32 @!p0 $0x1C02  }
0x3c: {  	[timem:s3], [sflag:s2] =	dma.local @!p0 [hbm:s0], s1  }
0x3d: {  	s0 =	simm.s32 @!p0 $0x2  }
0x3e: {  	_ =	swait.ge @!p0 [sflag:s0], s1  }
0x3f: {  	s1 =	ssub.s32 @!p0 $0x0, s1;
	[sflag:s0] =	ssyncset.done @!p0 $0x0  }
0x40: {  	[sflag:s0] =	ssyncadd.s32 @!p0 s1  }
0x41: {  	[bflag:$0x3] =	sbarrier.arrive $0xFFFF  }
0x42: {  	_ =	shalt  }

// kernel: kernel.14.cloned.1.call-start
scs
__scs_entry_jumppad:
0x0: {  	(pc) =	sbr.rel $0x88, $3  }
0x1: {  	(tag) =	ssettag $0x0;
	lr =	simm.s32 $0x1  }
0x2: {  	[smem:$0x3F97] =	sst lr;
	_ =	strace $0xD0000000  }
0x3: {  	_ = 	snop  }
0x4: {  	_ = 	snop  }
0x5: {  	_ = 	snop  }
0x6: {  	_ = 	snop  }
0x7: {  	_ = 	snop  }
__scs_overlays_trampoline_lowered:
0x8: {  	[smem:$0x3FA6] =	sst s0  }
0x9: {  	[smem:$0x3FA7] =	sst s1  }
0xa: {  	[smem:$0x3FA8] =	sst s2  }
0xb: {  	[smem:$0x3FA9] =	sst s3  }
0xc: {  	[smem:$0x3FAA] =	sst s4  }
0xd: {  	[smem:$0x3FAB] =	sst s5  }
0xe: {  	[smem:$0x3FAC] =	sst s6  }
0xf: {  	[smem:$0x3FAD] =	sst s7  }
0x10: {  	[smem:$0x3FAE] =	sst s8  }
0x11: {  	[smem:$0x3FAF] =	sst s9;
	s0 =	simm.s32 @!p0 $0x0  }
0x12: {  	s1 =	sld [smem:$0x3F95];
	s0 =	simm.s32 @p0 $0x1  }
0x13: {  	[smem:$0x3FB0] =	sst s0;
	s0 =	simm.s32 @!p1 $0x0  }
0x14: {  	s2 =	sld [smem:$0x3F94];
	s0 =	simm.s32 @p1 $0x1  }
0x15: {  	[smem:$0x3FB1] =	sst s0;
	s0 =	simm.s32 @!p2 $0x0  }
0x16: {  	s3 =	sld [smem:$0x3FDB];
	s0 =	simm.s32 @p2 $0x1  }
0x17: {  	s4 =	simm.s32 $0x1BF5;
	[smem:$0x3FB3] =	sst s0  }
0x18: {  	s0 =	sld [smem:$0x3F96];
	_ =	swait.ge [sflag:s4], $0x0  }
0x19: {  	s7 =	sld [smem:$0x3F97]  }
0x1a: {  	s8 =	sadd.s32 $0xFFFFE003, lr  }
0x1b: {  	s9 =	sadd.s32 $0xFFFFFEF7, lr;
	s5 =	simm.s32 $0xFFFFFFFF;
	p2 =	slt.u32 s8, $0xFFFFF086  }
0x1c: {  	p1 =	slt.u32 s9, $0xF7A;
	s5 =	simm.s32 @!p2 $0x0  }
0x1d: {  	s5 =	simm.s32 @p1 $0x1;
	p0 =	seq.s32 s7, s2  }
0x1e: {  	s7 =	smul.u32 @!p0 $0xF7A, s2;
	p2 =	seq.s32 @!p0 s5, $0x0  }
0x1f: {  	s9 =	smul.u32 $0xF7A, s1;
	s8 =	simm.s32 @!p0 $0x1BF5;
	p2 =	por !p2, p0  }
0x20: {  	[sflag:s8] =	ssyncset.s32 @!p0 $0xFFFFF086;
	s6 =	sadd.s32 @!p0 s3, s7;
	s7 =	simm.s32 @!p0 $0x108  }
0x21: {  	s3 =	sadd.s32 s3, s9;
	s6 =	sadd.s32 @!p0 $0x88, s6;
	s7 =	simm.s32 @p2 $0x1082  }
0x22: {  	[simem:s7], [sflag:s8] =	dma.local @!p0 [hbm:s6], $0xF7A  }
0x23: {  	s9 =	sor.u32 $0xD0000000, s2;
	s6 =	simm.s32 $0x108;
	_ =	swait.ge @!p0 [sflag:s8], $0x0  }
0x24: {  	s3 =	sadd.s32 $0x88, s3;
	s6 =	simm.s32 @!p1 $0x1082;
	[sflag:s4] =	ssyncset.s32 $0xFFFFF086  }
0x25: {  	[simem:s6], [sflag:s4] =	dma.local [hbm:s3], $0xF7A  }
0x26: {  	[smem:$0x3F97] =	sst s1;
	(tag) =	ssettag s2;
	_ =	strace s9  }
0x27: {  	s1 =	sld [smem:$0x3FA7]  }
0x28: {  	s2 =	sld [smem:$0x3FA8]  }
0x29: {  	s4 =	sld [smem:$0x3FAA]  }
0x2a: {  	p0 =	seq.s32 s5, $0x0;
	s5 =	sld [smem:$0x3FAB]  }
0x2b: {  	s6 =	sld [smem:$0x3FAC]  }
0x2c: {  	s7 =	sld [smem:$0x3FAD]  }
0x2d: {  	s3 =	simm.s32 $0x108;
	s8 =	sld [smem:$0x3FAE]  }
0x2e: {  	s3 =	simm.s32 @!p0 $0x1082;
	s9 =	sld [smem:$0x3FAF]  }
0x2f: {  	lr =	sadd.s32 s0, s3;
	s0 =	sld [smem:$0x3FA6]  }
0x30: {  	s3 =	sld [smem:$0x3FA9]  }
0x31: {  	[smem:$0x3FB2] =	sst s10  }
0x32: {  	s10 =	sld [smem:$0x3FB0];
	_ =	sdelay $0x3  }
0x33: {  	p0 =	seq.s32 s10, $0x1;
	s10 =	sld [smem:$0x3FB2];
	_ =	sdelay $0x3  }
0x34: {  	[smem:$0x3FB2] =	sst s10  }
0x35: {  	s10 =	sld [smem:$0x3FB1];
	_ =	sdelay $0x3  }
0x36: {  	p1 =	seq.s32 s10, $0x1;
	s10 =	sld [smem:$0x3FB2];
	_ =	sdelay $0x3  }
0x37: {  	[smem:$0x3FB2] =	sst s10  }
0x38: {  	s10 =	sld [smem:$0x3FB3]  }
0x39: {  	_ = 	snop;
	(pc) =	sbr.ind lr, $3  }
0x3a: {  	_ = 	snop  }
0x3b: {  	_ = 	snop  }
0x3c: {  	p2 =	seq.s32 s10, $0x1;
	s10 =	sld [smem:$0x3FB2]  }
0x3d: {  	_ =	shalt  }
0x3e: {  	_ =	shalt  }
0x3f: {  	_ =	shalt  }
0x40: {  	_ =	shalt  }
0x41: {  	_ =	shalt  }
0x42: {  	_ =	shalt  }
0x43: {  	_ =	shalt  }
0x44: {  	_ =	shalt  }
0x45: {  	_ =	shalt  }
0x46: {  	_ =	shalt  }
0x47: {  	_ =	shalt  }
0x48: {  	_ =	shalt  }
0x49: {  	_ =	shalt  }
0x4a: {  	_ =	shalt  }
0x4b: {  	_ =	shalt  }
0x4c: {  	_ =	shalt  }
0x4d: {  	_ =	shalt  }
0x4e: {  	_ =	shalt  }
0x4f: {  	_ =	shalt  }
0x50: {  	_ =	shalt  }
0x51: {  	_ =	shalt  }
0x52: {  	_ =	shalt  }
0x53: {  	_ =	shalt  }
0x54: {  	_ =	shalt  }
0x55: {  	_ =	shalt  }
0x56: {  	_ =	shalt  }
0x57: {  	_ =	shalt  }
0x58: {  	_ =	shalt  }
0x59: {  	_ =	shalt  }
0x5a: {  	_ =	shalt  }
0x5b: {  	_ =	shalt  }
0x5c: {  	_ =	shalt  }
0x5d: {  	_ =	shalt  }
0x5e: {  	_ =	shalt  }
0x5f: {  	_ =	shalt  }
0x60: {  	_ =	shalt  }
0x61: {  	_ =	shalt  }
0x62: {  	_ =	shalt  }
0x63: {  	_ =	shalt  }
0x64: {  	_ =	shalt  }
0x65: {  	_ =	shalt  }
0x66: {  	_ =	shalt  }
0x67: {  	_ =	shalt  }
0x68: {  	_ =	shalt  }
0x69: {  	_ =	shalt  }
0x6a: {  	_ =	shalt  }
0x6b: {  	_ =	shalt  }
0x6c: {  	_ =	shalt  }
0x6d: {  	_ =	shalt  }
0x6e: {  	_ =	shalt  }
0x6f: {  	_ =	shalt  }
0x70: {  	_ =	shalt  }
0x71: {  	_ =	shalt  }
0x72: {  	_ =	shalt  }
0x73: {  	_ =	shalt  }
0x74: {  	_ =	shalt  }
0x75: {  	_ =	shalt  }
0x76: {  	_ =	shalt  }
0x77: {  	_ =	shalt  }
0x78: {  	_ =	shalt  }
0x79: {  	_ =	shalt  }
0x7a: {  	_ =	shalt  }
0x7b: {  	_ =	shalt  }
0x7c: {  	_ =	shalt  }
0x7d: {  	_ =	shalt  }
0x7e: {  	_ =	shalt  }
0x7f: {  	_ =	shalt  }
0x80: {  	_ =	shalt  }
0x81: {  	_ =	shalt  }
0x82: {  	_ =	shalt  }
0x83: {  	_ =	shalt  }
0x84: {  	_ =	shalt  }
0x85: {  	_ =	shalt  }
0x86: {  	_ =	shalt  }
0x87: {  	_ =	shalt  }
.Lfunc_end0:
.L_simem_size_0:
called_computation.2_lowered:
.L_overlay_start_0:
0x88: {  	s2 =	sld [smem:$0x3FD9]  }
0x89: {  	s3 =	sld [smem:$0x3FFE];
	_ =	sdelay $0x1  }
0x8a: {  	s1 =	srdreg.scid  }
0x8b: {  	s0 =	sand.u32 $0x1, s1  }
0x8c: {  	s14 =	sshll.u32 s0, $0xA;
	s2 =	sadd.s32 s3, s2  }
0x8d: {  	s2 =	sadd.s32 s2, s14  }
0x8e: {  	[smem:$0x3FBE] =	sst s2  }
0x8f: {  	_ = 	snop  }
0x90: {  	s2 =	sld [smem:$0x3FD0];
	_ =	sdelay $0x2  }
0x91: {  	s15 =	simm.s32 $0xA;
	s4 =	simm.s32 $0x10  }
0x92: {  	[smem:s4], [sflag:s15] =	dma.local [hbm:s2], $0x1  }
0x93: {  	_ =	swait.eq [sflag:s15], $0x1  }
0x94: {  	[sflag:s15] =	ssyncset.done $0x0  }
0x95: {  	[sflag:s15] =	ssyncadd.s32 $0xFFFFFFFF  }
0x96: {  	s16 =	sld [smem:$0x11];
	(tm) =	ssettm $0x1  }
0x97: {  	s17 =	sld [smem:$0x3FFB];
	_ =	sdelay $0x3  }
0x98: {  	_ =	strace s17  }
0x99: {  	s3 =	sld [smem:$0x3FFC];
	_ =	sdelay $0x3  }
0x9a: {  	_ =	strace s3  }
0x9b: {  	s3 =	sld [smem:$0x3FFD];
	_ =	sdelay $0x3  }
0x9c: {  	_ =	strace s3  }
0x9d: {  	_ =	strace $0x8FFFFFFF  }
0x9e: {  	s18 =	sld [smem:$0x3FDB];
	_ =	sdelay $0x1  }
0x9f: {  	s19 =	simm.s32 $_scs_section_size  }
0xa0: {  	s5 =	simm.s32 $_size__tile_overlayer_lowered;
	s6 =	simm.s32 $_tile_overlayer_lowered  }
0xa1: {  	s22 =	simm.s32 $0x1BFF;
	s21 =	sshll.u32 s6, $0x1;
	s3 =	sadd.s32 s19, s18  }
0xa2: {  	s7 =	simm.s32 $0x0;
	s20 =	sshll.u32 s5, $0x1;
	s5 =	sadd.s32 s21, s3  }
0xa3: {  	[timem:s7], [sflag:s22] =	dma.local [hbm:s5], s20  }
0xa4: {  	_ =	swait.ge [sflag:s22], s20  }
0xa5: {  	s4 =	ssub.s32 $0x0, s20;
	[sflag:s22] =	ssyncset.done $0x0  }
0xa6: {  	[sflag:s22] =	ssyncadd.s32 s4;
	_ =	sdelay $0x1  }
0xa7: {  	s23 =	simm.s32 $0x1B8B  }
0xa8: {  	_ =	swait.ge [sflag:s23], $0x1  }
0xa9: {  	[sflag:s23] =	ssyncset.done $0x0  }
0xaa: {  	s25 =	simm.s32 $0x1B8E;
	s24 =	sld [smem:$0x3FFE];
	[sflag:s23] =	ssyncadd.s32 $0xFFFFFFFF  }
0xab: {  	s26 =	simm.s32 $execute0_lowered;
	[smem:$0x3FD2] =	sst s25  }
0xac: {  	s5 =	sshll.u32 s26, $0x1;
	_ =	strace $0x8000004C;
	[dreg:$0x1] =	wrdreg $0xFFFFFFFF  }
0xad: {  	s28 =	simm.s32 $_size_execute0_lowered;
	s3 =	sadd.s32 s3, s5;
	[dreg:$0x0] =	wrdreg $0x0  }
0xae: {  	s5 =	sshll.u32 s28, $0x1;
	[dreg:$0x2] =	wrdreg s3  }
0xaf: {  	[dreg:$0x3] =	wrdreg s5  }
0xb0: {  	[dreg:$0x4] =	wrdreg $0xC0  }
0xb1: {  	_ =	task [dreg:s7], $0x5FFFF  }
0xb2: {  	[dreg:$0x1] =	wrdreg $0xFFFFFFFF  }
0xb3: {  	[dreg:$0x0] =	wrdreg $0x60  }
0xb4: {  	[dreg:$0x2] =	wrdreg s16  }
0xb5: {  	[dreg:$0x3] =	wrdreg s24  }
0xb6: {  	[dreg:$0x4] =	wrdreg $0xA8000  }
0xb7: {  	[dreg:$0x5] =	wrdreg $0x9  }
0xb8: {  	_ =	task.clear_ibuf [dreg:s7], $0x6FFFF;
	_ =	strace $0x9000004C  }
0xb9: {  	s29 =	simm.s32 $0x9;
	_ =	strace $0x8000004E  }
0xba: {  	_ =	swait.ge [sflag:s29], $0x1  }
0xbb: {  	[sflag:s29] =	ssyncadd.s32 $0xFFFFFFFF  }
0xbc: {  	_ =	strace $0x9000004E  }
0xbd: {  	_ =	sfence  }
0xbe: {  	s30 =	sld [smem:$0x0];
	_ =	sdelay $0x2  }
0xbf: {  	s31 =	sshll.u32 s1, $0xD;
	s1 =	sshrl.u32 s1, $0x2  }
0xc0: {  	s3 =	sand.u32 $0x4000, s31;
	s1 =	sadd.s32 s1, s30  }
0xc1: {  	s0 =	sor.u32 s3, s0;
	s1 =	sshll.u32 s1, $0x11  }
0xc2: {  	s0 =	sor.u32 s1, s0  }
0xc3: {  	s0 =	sadd.s32 $0x8F2B, s0  }
0xc4: {  	[sflag:s0] =	ssyncadd.remote.s32 $0x1  }
0xc5: {  	_ =	sfence.sel $0xFFFF  }
0xc6: {  	[dreg:$0x0] =	wrdreg $0xFFFFFFFF;
	(pc) =	sbr.abs _section_cstart, $3  }
0xc7: {  	[dreg:$0x1] =	wrdreg $0xFFFFFFFF  }
0xc8: {  	_ =	task.clear_ibuf [dreg:s7], $0x2FFFF;
	_ =	strace $0x9FFFFFFF  }
0xc9: {  	(tm) =	ssettm $0x7FFFFFFF  }
tec
execute0_lowered:
.L_overlay_start_1:
0x0: {  	(tag) =	ssettag $0x1  }
0x1: {  	s5 =	rddreg [dreg:$0x0]  }
0x2: {  	s1 =	srdreg.scid;
	s6 =	rddreg [dreg:$0x1]  }
0x3: {  	s0 =	stileid.u32;
	s2 =	rddreg [dreg:$0x2];
	s3 =	simm.s32 $0x0  }
0x4: {  	s15 =	simm.s32 $0x6800;
	s16 =	simm.s32 $0x1;
	s17 =	simm.s32 $0x0  }
0x5: {  	s7 =	sand.u32 $0x1, s1;
	s1 =	rddreg [dreg:$0x3];
	s9 =	smul.u32 $0x2800, s0  }
0x6: {  	s28 =	sshll.u32 s0, $0x1;
	[smem:$0x7FF] =	sst s3;
	s14 =	smul.u32 $0x50000, s0  }
0x7: {  	s31 =	sshll.u32 s0, $0x6;
	s4 =	sor.u32 s7, s28;
	_ =	strace $0x8000004D  }
0x8: {  	s10 =	smul.u32 $0x28000, s7;
	s12 =	ssub.s32 $0x2, s7;
	p0 =	seq.s32 s7, $0x0  }
0x9: {  	s7 =	simm.s32 $0x62;
	s8 =	smul.u32 $0x680, s4;
	s4 =	sadd.s32 $0x2A800, s6  }
0xa: {  	s13 =	sshrl.u32 s12, $0x1;
	s29 =	sshrl.u32 s14, $0x2;
	s7 =	simm.s32 @!p0 $0x3B  }
0xb: {  	s14 =	simm.s32 $0x80;
	s10 =	sadd.s32 s9, s10;
	s9 =	sadd.s32 s9, s6  }
0xc: {  	s12 =	ssub.s32 s12, s13;
	s30 =	sadd.s32 s29, s2;
	s11 =	sadd.s32 s8, s6  }
0xd: {  	s10 =	sadd.s32 s10, s6;
	s5 =	sadd.s32 s5, s8;
	s8 =	sadd.s32 $0x2800, s9  }
0xe: {  	s13 =	sshrl.u32 s30, $0x3;
	s6 =	sadd.s32 $0x7B000, s11;
	s9 =	sadd.s32 $0x88000, s10  }
0xf: {  	s10 =	smax.u32 s12, $0x1;
	s11 =	simm.s32 $0x2;
	s12 =	sor.u32 $0x1C02, s31  }
.LBB2_1:
0x10: {  	[tilespmem:s3], [sflag:$0x2] =	stream.linear.gather [hbm4b:s5+s3], $0x3100, $0x38;
	[tilespmem:$0x1E800] =	vst v63  }
0x11: {  	_ =	swait.ge [sflag:s11], $0x3100  }
0x12: {  	[sflag:s11] =	ssyncset.done $0x0  }
0x13: {  	s18 =	simm.s32 $0x3400;
	[sflag:s11] =	ssyncadd.s32 $0xFFFFCF00  }
0x14: {  	[tilespmem:s18], [sflag:$0x2] =	stream.linear.gather [hbm4b:s6+s3], $0x3100, $0x38;
	[tilespmem:$0x1E800] =	vst v63  }
0x15: {  	_ =	swait.ge [sflag:s11], $0x3100  }
0x16: {  	[sflag:s11] =	ssyncset.done $0x0  }
0x17: {  	[sflag:s11] =	ssyncadd.s32 $0xFFFFCF00  }
0x18: {  	[spmem:s13], [sflag:s12] =	dma.local [hbm:s8], $0x2800  }
0x19: {  	_ =	swait.ge [sflag:s11], $0x2800  }
0x1a: {  	[sflag:s11] =	ssyncset.done $0x0  }
0x1b: {  	[sflag:s11] =	ssyncadd.s32 $0xFFFFD800  }
0x1c: {  	[bflag:$0x0] =	sbarrier.arrive $0xFFFF  }
0x1d: {  	[tilespmem:s15], [sflag:$0x1] =	stream.indirect.gather [hbm4b:s4+s14], $0x80, s3, s14, $0xb8;
	[tilespmem:$0x1E800] =	vst v63  }
0x1e: {  	p0 =	sne.s32 s7, $0x1;
	_ =	swait.ge [sflag:s16], $0x4000  }
.Ltmp0:
0x1f: {  	[sflag:s16] =	ssyncset.done $0x0;
	(pc) =	sbr.rel @!p0 .LBB2_3-.Ltmp0, $4  }
0x20: {  	[sflag:s16] =	ssyncadd.s32 $0xFFFFC000  }
0x21: {  	[spmem:s2] =	stream.indirect.scatter.add.f32 [tilespmem:s15], [sflag:$0x2], $0x80, s18, s14, $0xb8;
	[tilespmem:$0x1E800] =	vst v63  }
0x22: {  	_ =	swait.ge [sflag:s11], $0x4000  }
0x23: {  	s19 =	sadd.s32 $0xFFFFFFFF, s7;
	s20 =	simm.s32 $0x0;
	[sflag:s11] =	ssyncset.done $0x0  }
.LBB2_2:
0x24: {  	[sflag:s11] =	ssyncadd.s32 $0xFFFFC000;
	s20 =	sadd.s32 $0x80, s20;
	s18 =	sadd.s32 $0x80, s18  }
0x25: {  	[tilespmem:s15], [sflag:$0x1] =	stream.indirect.gather [hbm4b:s4+s14], $0x80, s20, s14, $0xb8;
	[tilespmem:$0x1E800] =	vst v63  }
0x26: {  	p0 =	sne.s32 s19, $0x1;
	s19 =	sadd.s32 $0xFFFFFFFF, s19;
	_ =	swait.ge [sflag:s16], $0x4000  }
.Ltmp1:
0x27: {  	[sflag:s16] =	ssyncset.done $0x0;
	(pc) =	sbr.rel @p0 .LBB2_2-.Ltmp1, $4  }
0x28: {  	[sflag:s16] =	ssyncadd.s32 $0xFFFFC000  }
0x29: {  	[spmem:s2] =	stream.indirect.scatter.add.f32 [tilespmem:s15], [sflag:$0x2], $0x80, s18, s14, $0xb8;
	[tilespmem:$0x1E800] =	vst v63  }
0x2a: {  	_ =	swait.ge [sflag:s11], $0x4000  }
0x2b: {  	[sflag:s11] =	ssyncset.done $0x0  }
.LBB2_3:
0x2c: {  	s17 =	sadd.s32 $0x1, s17  }
0x2d: {  	[sflag:s11] =	ssyncadd.s32 $0xFFFFC000;
	p0 =	sne.s32 s17, s10  }
.Ltmp2:
0x2e: {  	[bflag:$0x0] =	sbarrier.arrive $0xFFFF;
	(pc) =	sbr.rel @p0 .LBB2_1-.Ltmp2, $4  }
0x2f: {  	[hbm:s9], [sflag:s12] =	dma.local [spmem:s13], $0x2800  }
0x30: {  	_ =	swait.ge [sflag:s11], $0x2800  }
0x31: {  	[sflag:s11] =	ssyncset.done $0x0  }
0x32: {  	[sflag:s11] =	ssyncadd.s32 $0xFFFFD800  }
0x33: {  	_ =	sfence.sel $0x180000  }
0x34: {  	[bflag:$0x0] =	sbarrier.arrive $0xFFFF  }
0x35: {  	p0 =	sne.s32 s0, $0x0;
	_ =	strace $0x9000004D  }
0x36: {  	s0 =	sadd.s32 @!p0 $0x100000, s1;
	[bflag:$0x2] =	sbarrier.arrive $0xFFFF  }
0x37: {  	[sflag:s0] =	ssyncadd.tile.s32 @!p0 $0x1;
	_ =	shalt  }
.Lfunc_end2:
_tile_overlayer_lowered:
.L_overlay_start_2:
0x38: {  	(tag) =	ssettag $0x2  }
0x39: {  	s0 =	rddreg [dreg:$0x0];
	s2 =	stileid.u32  }
0x3a: {  	s1 =	rddreg [dreg:$0x1];
	p0 =	sne.s32 s2, $0x0  }
0x3b: {  	s3 =	rddreg [dreg:$0x2];
	[bflag:$0x3] =	sbarrier.arrive $0xFFFF;
	s2 =	simm.s32 @!p0 $0x1C02  }
0x3c: {  	[timem:s3], [sflag:s2] =	dma.local @!p0 [hbm:s0], s1  }
0x3d: {  	s0 =	simm.s32 @!p0 $0x2  }
0x3e: {  	_ =	swait.ge @!p0 [sflag:s0], s1  }
0x3f: {  	s1 =	ssub.s32 @!p0 $0x0, s1;
	[sflag:s0] =	ssyncset.done @!p0 $0x0  }
0x40: {  	[sflag:s0] =	ssyncadd.s32 @!p0 s1  }
0x41: {  	[bflag:$0x3] =	sbarrier.arrive $0xFFFF  }
0x42: {  	_ =	shalt  }

// kernel: kernel.8.cloned.1.call-start
scs
__scs_entry_jumppad:
0x0: {  	(pc) =	sbr.rel $0x88, $3  }
0x1: {  	(tag) =	ssettag $0x0;
	lr =	simm.s32 $0x1  }
0x2: {  	[smem:$0x3F97] =	sst lr;
	_ =	strace $0xD0000000  }
0x3: {  	_ = 	snop  }
0x4: {  	_ = 	snop  }
0x5: {  	_ = 	snop  }
0x6: {  	_ = 	snop  }
0x7: {  	_ = 	snop  }
__scs_overlays_trampoline_lowered:
0x8: {  	[smem:$0x3FA6] =	sst s0  }
0x9: {  	[smem:$0x3FA7] =	sst s1  }
0xa: {  	[smem:$0x3FA8] =	sst s2  }
0xb: {  	[smem:$0x3FA9] =	sst s3  }
0xc: {  	[smem:$0x3FAA] =	sst s4  }
0xd: {  	[smem:$0x3FAB] =	sst s5  }
0xe: {  	[smem:$0x3FAC] =	sst s6  }
0xf: {  	[smem:$0x3FAD] =	sst s7  }
0x10: {  	[smem:$0x3FAE] =	sst s8  }
0x11: {  	[smem:$0x3FAF] =	sst s9;
	s0 =	simm.s32 @!p0 $0x0  }
0x12: {  	s1 =	sld [smem:$0x3F95];
	s0 =	simm.s32 @p0 $0x1  }
0x13: {  	[smem:$0x3FB0] =	sst s0;
	s0 =	simm.s32 @!p1 $0x0  }
0x14: {  	s2 =	sld [smem:$0x3F94];
	s0 =	simm.s32 @p1 $0x1  }
0x15: {  	[smem:$0x3FB1] =	sst s0;
	s0 =	simm.s32 @!p2 $0x0  }
0x16: {  	s3 =	sld [smem:$0x3FDB];
	s0 =	simm.s32 @p2 $0x1  }
0x17: {  	s4 =	simm.s32 $0x1BF5;
	[smem:$0x3FB3] =	sst s0  }
0x18: {  	s0 =	sld [smem:$0x3F96];
	_ =	swait.ge [sflag:s4], $0x0  }
0x19: {  	s7 =	sld [smem:$0x3F97]  }
0x1a: {  	s8 =	sadd.s32 $0xFFFFE003, lr  }
0x1b: {  	s9 =	sadd.s32 $0xFFFFFEF7, lr;
	s5 =	simm.s32 $0xFFFFFFFF;
	p2 =	slt.u32 s8, $0xFFFFF086  }
0x1c: {  	p1 =	slt.u32 s9, $0xF7A;
	s5 =	simm.s32 @!p2 $0x0  }
0x1d: {  	s5 =	simm.s32 @p1 $0x1;
	p0 =	seq.s32 s7, s2  }
0x1e: {  	s7 =	smul.u32 @!p0 $0xF7A, s2;
	p2 =	seq.s32 @!p0 s5, $0x0  }
0x1f: {  	s9 =	smul.u32 $0xF7A, s1;
	s8 =	simm.s32 @!p0 $0x1BF5;
	p2 =	por !p2, p0  }
0x20: {  	[sflag:s8] =	ssyncset.s32 @!p0 $0xFFFFF086;
	s6 =	sadd.s32 @!p0 s3, s7;
	s7 =	simm.s32 @!p0 $0x108  }
0x21: {  	s3 =	sadd.s32 s3, s9;
	s6 =	sadd.s32 @!p0 $0x88, s6;
	s7 =	simm.s32 @p2 $0x1082  }
0x22: {  	[simem:s7], [sflag:s8] =	dma.local @!p0 [hbm:s6], $0xF7A  }
0x23: {  	s9 =	sor.u32 $0xD0000000, s2;
	s6 =	simm.s32 $0x108;
	_ =	swait.ge @!p0 [sflag:s8], $0x0  }
0x24: {  	s3 =	sadd.s32 $0x88, s3;
	s6 =	simm.s32 @!p1 $0x1082;
	[sflag:s4] =	ssyncset.s32 $0xFFFFF086  }
0x25: {  	[simem:s6], [sflag:s4] =	dma.local [hbm:s3], $0xF7A  }
0x26: {  	[smem:$0x3F97] =	sst s1;
	(tag) =	ssettag s2;
	_ =	strace s9  }
0x27: {  	s1 =	sld [smem:$0x3FA7]  }
0x28: {  	s2 =	sld [smem:$0x3FA8]  }
0x29: {  	s4 =	sld [smem:$0x3FAA]  }
0x2a: {  	p0 =	seq.s32 s5, $0x0;
	s5 =	sld [smem:$0x3FAB]  }
0x2b: {  	s6 =	sld [smem:$0x3FAC]  }
0x2c: {  	s7 =	sld [smem:$0x3FAD]  }
0x2d: {  	s3 =	simm.s32 $0x108;
	s8 =	sld [smem:$0x3FAE]  }
0x2e: {  	s3 =	simm.s32 @!p0 $0x1082;
	s9 =	sld [smem:$0x3FAF]  }
0x2f: {  	lr =	sadd.s32 s0, s3;
	s0 =	sld [smem:$0x3FA6]  }
0x30: {  	s3 =	sld [smem:$0x3FA9]  }
0x31: {  	[smem:$0x3FB2] =	sst s10  }
0x32: {  	s10 =	sld [smem:$0x3FB0];
	_ =	sdelay $0x3  }
0x33: {  	p0 =	seq.s32 s10, $0x1;
	s10 =	sld [smem:$0x3FB2];
	_ =	sdelay $0x3  }
0x34: {  	[smem:$0x3FB2] =	sst s10  }
0x35: {  	s10 =	sld [smem:$0x3FB1];
	_ =	sdelay $0x3  }
0x36: {  	p1 =	seq.s32 s10, $0x1;
	s10 =	sld [smem:$0x3FB2];
	_ =	sdelay $0x3  }
0x37: {  	[smem:$0x3FB2] =	sst s10  }
0x38: {  	s10 =	sld [smem:$0x3FB3]  }
0x39: {  	_ = 	snop;
	(pc) =	sbr.ind lr, $3  }
0x3a: {  	_ = 	snop  }
0x3b: {  	_ = 	snop  }
0x3c: {  	p2 =	seq.s32 s10, $0x1;
	s10 =	sld [smem:$0x3FB2]  }
0x3d: {  	_ =	shalt  }
0x3e: {  	_ =	shalt  }
0x3f: {  	_ =	shalt  }
0x40: {  	_ =	shalt  }
0x41: {  	_ =	shalt  }
0x42: {  	_ =	shalt  }
0x43: {  	_ =	shalt  }
0x44: {  	_ =	shalt  }
0x45: {  	_ =	shalt  }
0x46: {  	_ =	shalt  }
0x47: {  	_ =	shalt  }
0x48: {  	_ =	shalt  }
0x49: {  	_ =	shalt  }
0x4a: {  	_ =	shalt  }
0x4b: {  	_ =	shalt  }
0x4c: {  	_ =	shalt  }
0x4d: {  	_ =	shalt  }
0x4e: {  	_ =	shalt  }
0x4f: {  	_ =	shalt  }
0x50: {  	_ =	shalt  }
0x51: {  	_ =	shalt  }
0x52: {  	_ =	shalt  }
0x53: {  	_ =	shalt  }
0x54: {  	_ =	shalt  }
0x55: {  	_ =	shalt  }
0x56: {  	_ =	shalt  }
0x57: {  	_ =	shalt  }
0x58: {  	_ =	shalt  }
0x59: {  	_ =	shalt  }
0x5a: {  	_ =	shalt  }
0x5b: {  	_ =	shalt  }
0x5c: {  	_ =	shalt  }
0x5d: {  	_ =	shalt  }
0x5e: {  	_ =	shalt  }
0x5f: {  	_ =	shalt  }
0x60: {  	_ =	shalt  }
0x61: {  	_ =	shalt  }
0x62: {  	_ =	shalt  }
0x63: {  	_ =	shalt  }
0x64: {  	_ =	shalt  }
0x65: {  	_ =	shalt  }
0x66: {  	_ =	shalt  }
0x67: {  	_ =	shalt  }
0x68: {  	_ =	shalt  }
0x69: {  	_ =	shalt  }
0x6a: {  	_ =	shalt  }
0x6b: {  	_ =	shalt  }
0x6c: {  	_ =	shalt  }
0x6d: {  	_ =	shalt  }
0x6e: {  	_ =	shalt  }
0x6f: {  	_ =	shalt  }
0x70: {  	_ =	shalt  }
0x71: {  	_ =	shalt  }
0x72: {  	_ =	shalt  }
0x73: {  	_ =	shalt  }
0x74: {  	_ =	shalt  }
0x75: {  	_ =	shalt  }
0x76: {  	_ =	shalt  }
0x77: {  	_ =	shalt  }
0x78: {  	_ =	shalt  }
0x79: {  	_ =	shalt  }
0x7a: {  	_ =	shalt  }
0x7b: {  	_ =	shalt  }
0x7c: {  	_ =	shalt  }
0x7d: {  	_ =	shalt  }
0x7e: {  	_ =	shalt  }
0x7f: {  	_ =	shalt  }
0x80: {  	_ =	shalt  }
0x81: {  	_ =	shalt  }
0x82: {  	_ =	shalt  }
0x83: {  	_ =	shalt  }
0x84: {  	_ =	shalt  }
0x85: {  	_ =	shalt  }
0x86: {  	_ =	shalt  }
0x87: {  	_ =	shalt  }
.Lfunc_end0:
.L_simem_size_0:
called_computation_lowered:
.L_overlay_start_0:
0x88: {  	s2 =	sld [smem:$0x3FD9]  }
0x89: {  	s3 =	sld [smem:$0x3FFE];
	_ =	sdelay $0x1  }
0x8a: {  	s1 =	srdreg.scid  }
0x8b: {  	s0 =	sand.u32 $0x1, s1  }
0x8c: {  	s14 =	sshll.u32 s0, $0xA;
	s2 =	sadd.s32 s3, s2  }
0x8d: {  	s2 =	sadd.s32 s2, s14  }
0x8e: {  	[smem:$0x3FBE] =	sst s2  }
0x8f: {  	_ = 	snop  }
0x90: {  	s2 =	sld [smem:$0x3FD0];
	_ =	sdelay $0x2  }
0x91: {  	s15 =	simm.s32 $0xA;
	s4 =	simm.s32 $0x10  }
0x92: {  	[smem:s4], [sflag:s15] =	dma.local [hbm:s2], $0x1  }
0x93: {  	_ =	swait.eq [sflag:s15], $0x1  }
0x94: {  	[sflag:s15] =	ssyncset.done $0x0  }
0x95: {  	[sflag:s15] =	ssyncadd.s32 $0xFFFFFFFF  }
0x96: {  	s16 =	sld [smem:$0x12];
	(tm) =	ssettm $0x1  }
0x97: {  	s17 =	sld [smem:$0x3FFB];
	_ =	sdelay $0x3  }
0x98: {  	_ =	strace s17  }
0x99: {  	s3 =	sld [smem:$0x3FFC];
	_ =	sdelay $0x3  }
0x9a: {  	_ =	strace s3  }
0x9b: {  	s3 =	sld [smem:$0x3FFD];
	_ =	sdelay $0x3  }
0x9c: {  	_ =	strace s3  }
0x9d: {  	_ =	strace $0x8FFFFFFF  }
0x9e: {  	s18 =	sld [smem:$0x3FDB];
	_ =	sdelay $0x1  }
0x9f: {  	s19 =	simm.s32 $_scs_section_size  }
0xa0: {  	s5 =	simm.s32 $_size__tile_overlayer_lowered;
	s6 =	simm.s32 $_tile_overlayer_lowered  }
0xa1: {  	s22 =	simm.s32 $0x1BFF;
	s21 =	sshll.u32 s6, $0x1;
	s3 =	sadd.s32 s19, s18  }
0xa2: {  	s7 =	simm.s32 $0x0;
	s20 =	sshll.u32 s5, $0x1;
	s5 =	sadd.s32 s21, s3  }
0xa3: {  	[timem:s7], [sflag:s22] =	dma.local [hbm:s5], s20  }
0xa4: {  	_ =	swait.ge [sflag:s22], s20  }
0xa5: {  	s4 =	ssub.s32 $0x0, s20;
	[sflag:s22] =	ssyncset.done $0x0  }
0xa6: {  	[sflag:s22] =	ssyncadd.s32 s4;
	_ =	sdelay $0x1  }
0xa7: {  	s23 =	simm.s32 $0x1B8B  }
0xa8: {  	_ =	swait.ge [sflag:s23], $0x1  }
0xa9: {  	[sflag:s23] =	ssyncset.done $0x0  }
0xaa: {  	s25 =	simm.s32 $0x1B8E;
	s24 =	sld [smem:$0x3FFE];
	[sflag:s23] =	ssyncadd.s32 $0xFFFFFFFF  }
0xab: {  	s26 =	simm.s32 $execute0_lowered;
	[smem:$0x3FD2] =	sst s25  }
0xac: {  	s5 =	sshll.u32 s26, $0x1;
	_ =	strace $0x80000046;
	[dreg:$0x1] =	wrdreg $0xFFFFFFFF  }
0xad: {  	s28 =	simm.s32 $_size_execute0_lowered;
	s3 =	sadd.s32 s3, s5;
	[dreg:$0x0] =	wrdreg $0x0  }
0xae: {  	s5 =	sshll.u32 s28, $0x1;
	[dreg:$0x2] =	wrdreg s3  }
0xaf: {  	[dreg:$0x3] =	wrdreg s5  }
0xb0: {  	[dreg:$0x4] =	wrdreg $0xC0  }
0xb1: {  	_ =	task [dreg:s7], $0x5FFFF  }
0xb2: {  	[dreg:$0x1] =	wrdreg $0xFFFFFFFF  }
0xb3: {  	[dreg:$0x0] =	wrdreg $0x60  }
0xb4: {  	[dreg:$0x2] =	wrdreg s16  }
0xb5: {  	[dreg:$0x3] =	wrdreg s24  }
0xb6: {  	[dreg:$0x4] =	wrdreg $0x68000  }
0xb7: {  	[dreg:$0x5] =	wrdreg $0x9  }
0xb8: {  	_ =	task.clear_ibuf [dreg:s7], $0x6FFFF;
	_ =	strace $0x90000046  }
0xb9: {  	s29 =	simm.s32 $0x9;
	_ =	strace $0x80000048  }
0xba: {  	_ =	swait.ge [sflag:s29], $0x1  }
0xbb: {  	[sflag:s29] =	ssyncadd.s32 $0xFFFFFFFF  }
0xbc: {  	_ =	strace $0x90000048  }
0xbd: {  	_ =	sfence  }
0xbe: {  	s30 =	sld [smem:$0x0];
	_ =	sdelay $0x2  }
0xbf: {  	s31 =	sshll.u32 s1, $0xD;
	s1 =	sshrl.u32 s1, $0x2  }
0xc0: {  	s3 =	sand.u32 $0x4000, s31;
	s1 =	sadd.s32 s1, s30  }
0xc1: {  	s0 =	sor.u32 s3, s0;
	s1 =	sshll.u32 s1, $0x11  }
0xc2: {  	s0 =	sor.u32 s1, s0  }
0xc3: {  	s0 =	sadd.s32 $0x8F2B, s0  }
0xc4: {  	[sflag:s0] =	ssyncadd.remote.s32 $0x1  }
0xc5: {  	_ =	sfence.sel $0xFFFF  }
0xc6: {  	[dreg:$0x0] =	wrdreg $0xFFFFFFFF;
	(pc) =	sbr.abs _section_cstart, $3  }
0xc7: {  	[dreg:$0x1] =	wrdreg $0xFFFFFFFF  }
0xc8: {  	_ =	task.clear_ibuf [dreg:s7], $0x2FFFF;
	_ =	strace $0x9FFFFFFF  }
0xc9: {  	(tm) =	ssettm $0x7FFFFFFF  }
tec
execute0_lowered:
.L_overlay_start_1:
0x0: {  	(tag) =	ssettag $0x1  }
0x1: {  	s5 =	rddreg [dreg:$0x0]  }
0x2: {  	s6 =	rddreg [dreg:$0x1]  }
0x3: {  	s2 =	rddreg [dreg:$0x2]  }
0x4: {  	s0 =	rddreg [dreg:$0x3];
	s3 =	simm.s32 $0x0;
	s1 =	stileid.u32  }
0x5: {  	s8 =	srdreg.scid;
	s13 =	simm.s32 $0x80;
	s14 =	simm.s32 $0x0  }
0x6: {  	[smem:$0x7FF] =	sst s3;
	s7 =	smul.u32 $0x2800, s1;
	s4 =	sadd.s32 $0x2A800, s6  }
0x7: {  	s8 =	sand.u32 $0x1, s8;
	s11 =	sshll.u32 s1, $0x1;
	s26 =	smul.u32 $0x50000, s1  }
0x8: {  	s31 =	sshll.u32 s1, $0x6;
	_ =	strace $0x80000047;
	s10 =	smul.u32 $0x28000, s8  }
0x9: {  	s12 =	ssub.s32 $0x2, s8;
	s8 =	sor.u32 s8, s11;
	s11 =	sor.u32 $0x1C01, s31  }
0xa: {  	s9 =	sadd.s32 s7, s6;
	s28 =	sshrl.u32 s12, $0x1;
	s8 =	smul.u32 $0x500, s8  }
0xb: {  	s29 =	sshrl.u32 s26, $0x2;
	s7 =	sadd.s32 s7, s10;
	s10 =	ssub.s32 s12, s28  }
0xc: {  	s30 =	sadd.s32 s29, s2;
	s7 =	sadd.s32 s7, s6;
	s5 =	sadd.s32 s5, s8  }
0xd: {  	s6 =	sadd.s32 $0x2800, s9;
	s8 =	smax.u32 s10, $0x1;
	s9 =	simm.s32 $0x1  }
0xe: {  	s10 =	simm.s32 $0x2800;
	s12 =	sshrl.u32 s30, $0x3;
	s7 =	sadd.s32 $0x2B000, s7  }
.LBB2_1:
0xf: {  	[tilespmem:s3], [sflag:$0x1] =	stream.linear.gather [hbm4b:s5+s3], $0x2780, $0x38;
	[tilespmem:$0x1A800] =	vst v63  }
0x10: {  	_ =	swait.ge [sflag:s9], $0x2780  }
0x11: {  	[sflag:s9] =	ssyncset.done $0x0  }
0x12: {  	[sflag:s9] =	ssyncadd.s32 $0xFFFFD880  }
0x13: {  	[tilespmem:s10], [sflag:$0x1] =	stream.linear.gather [hbm4b:s4+s3], $0x4000, $0x38;
	[tilespmem:$0x1A800] =	vst v63  }
0x14: {  	_ =	swait.ge [sflag:s9], $0x4000  }
0x15: {  	[sflag:s9] =	ssyncset.done $0x0  }
0x16: {  	[sflag:s9] =	ssyncadd.s32 $0xFFFFC000  }
0x17: {  	[spmem:s12], [sflag:s11] =	dma.local [hbm:s6], $0x2800  }
0x18: {  	_ =	swait.ge [sflag:s9], $0x2800  }
0x19: {  	[sflag:s9] =	ssyncset.done $0x0  }
0x1a: {  	[sflag:s9] =	ssyncadd.s32 $0xFFFFD800  }
0x1b: {  	s15 =	simm.s32 $0x0;
	[bflag:$0x0] =	sbarrier.arrive $0xFFFF  }
0x1c: {  	[spmem:s2] =	stream.indirect.scatter.add.f32 [tilespmem:s10], [sflag:$0x1], $0x80, s15, s13, $0xb8;
	[tilespmem:$0x1A800] =	vst v63  }
0x1d: {  	_ =	swait.ge [sflag:s9], $0x4000  }
0x1e: {  	s15 =	simm.s32 $0x200;
	[sflag:s9] =	ssyncset.done $0x0  }
.LBB2_2:
0x1f: {  	s16 =	sshra.s32 s15, $0x2;
	[sflag:s9] =	ssyncadd.s32 $0xFFFFC000;
	p0 =	sne.s32 s15, $0x9C00  }
0x20: {  	[spmem:s2] =	stream.indirect.scatter.add.f32 [tilespmem:s10], [sflag:$0x1], $0x80, s16, s13, $0xb8;
	[tilespmem:$0x1A800] =	vst v63  }
.Ltmp0:
0x21: {  	_ = 	snop;
	(pc) =	sbr.rel @p0 .LBB2_2-.Ltmp0, $4  }
0x22: {  	_ = 	snop  }
0x23: {  	s15 =	sadd.s32 $0x200, s15  }
0x24: {  	_ =	swait.ge [sflag:s9], $0x4000  }
0x25: {  	[sflag:s9] =	ssyncset.done $0x0  }
0x26: {  	s14 =	sadd.s32 $0x1, s14  }
0x27: {  	[sflag:s9] =	ssyncadd.s32 $0xFFFFC000;
	p0 =	sne.s32 s14, s8  }
.Ltmp1:
0x28: {  	[bflag:$0x0] =	sbarrier.arrive $0xFFFF;
	(pc) =	sbr.rel @p0 .LBB2_1-.Ltmp1, $4  }
0x29: {  	[hbm:s7], [sflag:s11] =	dma.local [spmem:s12], $0x2800  }
0x2a: {  	_ =	swait.ge [sflag:s9], $0x2800  }
0x2b: {  	[sflag:s9] =	ssyncset.done $0x0  }
0x2c: {  	[sflag:s9] =	ssyncadd.s32 $0xFFFFD800  }
0x2d: {  	_ =	sfence.sel $0x180000  }
0x2e: {  	[bflag:$0x0] =	sbarrier.arrive $0xFFFF  }
0x2f: {  	p0 =	sne.s32 s1, $0x0;
	_ =	strace $0x90000047  }
0x30: {  	s0 =	sadd.s32 @!p0 $0x100000, s0;
	[bflag:$0x2] =	sbarrier.arrive $0xFFFF  }
0x31: {  	[sflag:s0] =	ssyncadd.tile.s32 @!p0 $0x1;
	_ =	shalt  }
.Lfunc_end2:
_tile_overlayer_lowered:
.L_overlay_start_2:
0x32: {  	(tag) =	ssettag $0x2  }
0x33: {  	s0 =	rddreg [dreg:$0x0];
	s2 =	stileid.u32  }
0x34: {  	s1 =	rddreg [dreg:$0x1];
	p0 =	sne.s32 s2, $0x0  }
0x35: {  	s3 =	rddreg [dreg:$0x2];
	[bflag:$0x3] =	sbarrier.arrive $0xFFFF;
	s2 =	simm.s32 @!p0 $0x1C01  }
0x36: {  	[timem:s3], [sflag:s2] =	dma.local @!p0 [hbm:s0], s1  }
0x37: {  	s0 =	simm.s32 @!p0 $0x1  }
0x38: {  	_ =	swait.ge @!p0 [sflag:s0], s1  }
0x39: {  	s1 =	ssub.s32 @!p0 $0x0, s1;
	[sflag:s0] =	ssyncset.done @!p0 $0x0  }
0x3a: {  	[sflag:s0] =	ssyncadd.s32 @!p0 s1  }
0x3b: {  	[bflag:$0x3] =	sbarrier.arrive $0xFFFF  }
0x3c: {  	_ =	shalt  }

</sc_bundles>
